<compile_context>
chip_gen: v7x
topology: tpu7x:2x2x1
jax: 0.10.2.dev20260603
libtpu: 0.0.44.dev20260713+nightly
codegen_flags: <defaults>
</compile_context>

<pallas_src>
import functools

import jax
import jax.numpy as jnp
from jax import lax
from jax.experimental import pallas as pl
from jax.experimental.pallas import tpu as pltpu
from jax.experimental.pallas import tpu_sc as plsc

EMBEDDING_DIM = 512
NUM_CORES = 2
NUM_SUBCORES = 16
NUM_WORKERS = NUM_CORES * NUM_SUBCORES
CHUNK = 32
NBUF = 4


@functools.lru_cache(maxsize=None)
def _make_gather(batch: int):
    rows_per_worker = batch // NUM_WORKERS
    n_chunks = rows_per_worker // CHUNK
    assert rows_per_worker % CHUNK == 0
    tail = n_chunks % NBUF
    steady = n_chunks - NBUF - tail
    assert steady >= 0 and steady % NBUF == 0

    mesh = plsc.VectorSubcoreMesh(
        core_axis_name="c", subcore_axis_name="s",
        num_cores=NUM_CORES, num_subcores=NUM_SUBCORES)

    @functools.partial(
        pl.kernel,
        mesh=mesh,
        out_type=jax.ShapeDtypeStruct((batch, EMBEDDING_DIM), jnp.float32),
        scratch_types=(
            [pltpu.VMEM((rows_per_worker,), jnp.int32)]
            + [pltpu.VMEM((CHUNK, EMBEDDING_DIM), jnp.float32)] * NBUF
            + [pltpu.SemaphoreType.DMA] * (2 * NBUF)
        ),
    )
    def gather_kernel(table_hbm, idx_hbm, out_hbm, idx_v, *bufs_and_sems):
        rows = bufs_and_sems[:NBUF]
        gsems = bufs_and_sems[NBUF:2 * NBUF]
        ssems = bufs_and_sems[2 * NBUF:]
        wid = lax.axis_index("s") * NUM_CORES + lax.axis_index("c")
        base = wid * rows_per_worker
        pltpu.sync_copy(idx_hbm.at[pl.ds(base, rows_per_worker)], idx_v)

        def start_gather(k, off):
            pltpu.async_copy(
                table_hbm.at[idx_v.at[pl.ds(off, CHUNK)]], rows[k], gsems[k])

        def wait_gather(k, off):
            pltpu.make_async_copy(
                table_hbm.at[idx_v.at[pl.ds(off, CHUNK)]], rows[k],
                gsems[k]).wait()

        def start_scatter(k, off):
            pltpu.async_copy(
                rows[k], out_hbm.at[pl.ds(base + off, CHUNK)], ssems[k])

        def wait_scatter(k, off):
            pltpu.make_async_copy(
                rows[k], out_hbm.at[pl.ds(base + off, CHUNK)], ssems[k]).wait()

        for k in range(NBUF):
            start_gather(k, k * CHUNK)

        @pl.loop(0, steady, step=NBUF)
        def _chunk(g):
            off = g * CHUNK
            for k in range(NBUF):
                wait_gather(k, off + k * CHUNK)
                start_scatter(k, off + k * CHUNK)
            for k in range(NBUF):
                wait_scatter(k, off + k * CHUNK)
                start_gather(k, off + (k + NBUF) * CHUNK)

        off = steady * CHUNK
        for k in range(NBUF):
            wait_gather(k, off + k * CHUNK)
            start_scatter(k, off + k * CHUNK)
        for k in range(NBUF):
            wait_scatter(k, off + k * CHUNK)
            if k < tail:
                start_gather(k, off + (k + NBUF) * CHUNK)
        off += NBUF * CHUNK
        for k in range(tail):
            wait_gather(k, off + k * CHUNK)
            start_scatter(k, off + k * CHUNK)
        for k in range(tail):
            wait_scatter(k, off + k * CHUNK)

    return gather_kernel


def kernel(indices, embeddings):
    batch = indices.size
    idx_flat = indices.reshape(batch).astype(jnp.int32)
    out = _make_gather(batch)(embeddings, idx_flat)
    return out.reshape(*indices.shape, EMBEDDING_DIM)

# --- scband reference (transcript-rebuilt; emitter-appended) ---
"""Pipeline reference for scband-mock-dalle-49374944035351 (READ-ONLY COPY).

The authoritative reference and input builder live on the scoring server;
editing this copy changes nothing except your own understanding.
"""

import jax, jax.numpy as jnp
import numpy as np

NUM_EMBEDDINGS = 8192
EMBEDDING_DIM = 512
BATCH = 1024


def setup_inputs(seed: int = 0) -> dict:
    key = jax.random.key(seed)
    indices = jax.random.randint(key, (BATCH, 16, 16), 0, NUM_EMBEDDINGS)
    # Codebook initialized exactly as the torch module does:
    # row i = ones(embedding_dim) * (i / num_embeddings) - 0.1
    row_vals = jnp.arange(NUM_EMBEDDINGS, dtype=jnp.float32) / NUM_EMBEDDINGS
    embeddings = jnp.broadcast_to(row_vals[:, None], (NUM_EMBEDDINGS, EMBEDDING_DIM)).astype(jnp.float32) - 0.1
    return {"indices": indices, "embeddings": embeddings}


def reference(indices, embeddings):
    # Faithful translation of MockDALLE.decode_image's codebook lookup:
    #   embeddings = self.vqvae.codebook.embeddings[indices]
    # (the trailing torch.randn decoder output is nondeterministic noise and
    #  carries no computation from the lookup, so the lookup result is the
    #  deterministic forward output)
    out = jnp.take(embeddings, indices, axis=0)
    return out

if __name__ == "__main__":
    import jax
    _d = setup_inputs()
    print(jax.jit(kernel)(*tuple(_d.values())))

</pallas_src>

<mosaic_0001>
#map = affine_map<(d0, d1) -> (0, 0)>
#map1 = affine_map<(d0, d1) -> (0)>
module attributes {stable_mosaic.version = 14 : i64} {
  func.func @gather_kernel(%arg0: i32, %arg1: i32, %arg2: memref<8192x512xf32, #tpu.memory_space<hbm>>, %arg3: memref<262144xi32, #tpu.memory_space<hbm>>, %arg4: memref<262144x512xf32, #tpu.memory_space<hbm>>, %arg5: memref<8192xi32, #tpu.memory_space<vmem>>, %arg6: memref<32x512xf32, #tpu.memory_space<vmem>>, %arg7: memref<32x512xf32, #tpu.memory_space<vmem>>, %arg8: memref<32x512xf32, #tpu.memory_space<vmem>>, %arg9: memref<32x512xf32, #tpu.memory_space<vmem>>, %arg10: memref<!tpu.dma_semaphore, #tpu.memory_space<semaphore_mem>>, %arg11: memref<!tpu.dma_semaphore, #tpu.memory_space<semaphore_mem>>, %arg12: memref<!tpu.dma_semaphore, #tpu.memory_space<semaphore_mem>>, %arg13: memref<!tpu.dma_semaphore, #tpu.memory_space<semaphore_mem>>, %arg14: memref<!tpu.dma_semaphore, #tpu.memory_space<semaphore_mem>>, %arg15: memref<!tpu.dma_semaphore, #tpu.memory_space<semaphore_mem>>, %arg16: memref<!tpu.dma_semaphore, #tpu.memory_space<semaphore_mem>>, %arg17: memref<!tpu.dma_semaphore, #tpu.memory_space<semaphore_mem>>) attributes {dimension_semantics = [#tpu.dimension_semantics<core_parallel>, #tpu.dimension_semantics<subcore_parallel>], iteration_bounds = array<i64: 2, 16>, scalar_prefetch = 0 : i64, scratch_operands = 13 : i64, tpu.core_type = #tpu.core_type<sc_vector_subcore>, window_params = [{transform_indices = #map}, {transform_indices = #map1}, {transform_indices = #map}]} {
    %mul3A = arith.constant 2 : i32
    %mul3A_0 = arith.muli %arg1, %mul3A : i32
    %add3A = arith.addi %mul3A_0, %arg0 : i32
    %mul3A_1 = arith.constant 8192 : i32
    %mul3A_2 = arith.muli %add3A, %mul3A_1 : i32
    "tpu.region"() ({
      %run_scoped3A = tpu.sem_alloc : memref<!tpu.dma_semaphore, #tpu.memory_space<semaphore_mem>>
      %dma_start3A_93 = tpu.memref_slice %arg3[%mul3A_2] : memref<262144xi32, #tpu.memory_space<hbm>> -> memref<8192xi32, #tpu.memory_space<hbm>>
      %dma_start3A_94 = tpu.memref_slice %arg3[%mul3A_2] : memref<262144xi32, #tpu.memory_space<hbm>> -> memref<8192xi32, #tpu.memory_space<hbm>>
      tpu.enqueue_dma source(%dma_start3A_94 : memref<8192xi32, #tpu.memory_space<hbm>>) target(%arg5 : memref<8192xi32, #tpu.memory_space<vmem>>) target_semaphore(%run_scoped3A : memref<!tpu.dma_semaphore, #tpu.memory_space<semaphore_mem>>)
      %dma_wait3A_95 = tpu.memref_slice %arg3[%mul3A_2] : memref<262144xi32, #tpu.memory_space<hbm>> -> memref<8192xi32, #tpu.memory_space<hbm>>
      %dma_wait3A_96 = tpu.memref_slice %arg3[%mul3A_2] : memref<262144xi32, #tpu.memory_space<hbm>> -> memref<8192xi32, #tpu.memory_space<hbm>>
      tpu.wait_dma2 semaphore(%run_scoped3A : memref<!tpu.dma_semaphore, #tpu.memory_space<semaphore_mem>>) src(%dma_wait3A_96 : memref<8192xi32, #tpu.memory_space<hbm>>) dst(%arg5 : memref<8192xi32, #tpu.memory_space<vmem>>)
      tpu.yield
    }) : () -> ()
    %dma_start3A = arith.constant 0 : i32
    %dma_start3A_3 = tpu.memref_slice %arg5[%dma_start3A] : memref<8192xi32, #tpu.memory_space<vmem>> -> memref<32xi32, #tpu.memory_space<vmem>>
    %dma_start3A_4 = arith.constant 0 : i32
    %dma_start3A_5 = arith.constant 0 : i32
    %dma_start3A_6 = tpu.memref_slice %arg2[%dma_start3A_4, %dma_start3A_5] : memref<8192x512xf32, #tpu.memory_space<hbm>> -> memref<8192x512xf32, #tpu.memory_space<hbm>>
    tpu.enqueue_indirect_dma source(%dma_start3A_6 : memref<8192x512xf32, #tpu.memory_space<hbm>>) target(%arg6 : memref<32x512xf32, #tpu.memory_space<vmem>>) offsets(%dma_start3A_3 : memref<32xi32, #tpu.memory_space<vmem>>) semaphore(%arg10 : memref<!tpu.dma_semaphore, #tpu.memory_space<semaphore_mem>>)
    %dma_start3A_7 = arith.constant 32 : i32
    %dma_start3A_8 = tpu.memref_slice %arg5[%dma_start3A_7] : memref<8192xi32, #tpu.memory_space<vmem>> -> memref<32xi32, #tpu.memory_space<vmem>>
    %dma_start3A_9 = arith.constant 0 : i32
    %dma_start3A_10 = arith.constant 0 : i32
    %dma_start3A_11 = tpu.memref_slice %arg2[%dma_start3A_9, %dma_start3A_10] : memref<8192x512xf32, #tpu.memory_space<hbm>> -> memref<8192x512xf32, #tpu.memory_space<hbm>>
    tpu.enqueue_indirect_dma source(%dma_start3A_11 : memref<8192x512xf32, #tpu.memory_space<hbm>>) target(%arg7 : memref<32x512xf32, #tpu.memory_space<vmem>>) offsets(%dma_start3A_8 : memref<32xi32, #tpu.memory_space<vmem>>) semaphore(%arg11 : memref<!tpu.dma_semaphore, #tpu.memory_space<semaphore_mem>>)
    %dma_start3A_12 = arith.constant 64 : i32
    %dma_start3A_13 = tpu.memref_slice %arg5[%dma_start3A_12] : memref<8192xi32, #tpu.memory_space<vmem>> -> memref<32xi32, #tpu.memory_space<vmem>>
    %dma_start3A_14 = arith.constant 0 : i32
    %dma_start3A_15 = arith.constant 0 : i32
    %dma_start3A_16 = tpu.memref_slice %arg2[%dma_start3A_14, %dma_start3A_15] : memref<8192x512xf32, #tpu.memory_space<hbm>> -> memref<8192x512xf32, #tpu.memory_space<hbm>>
    tpu.enqueue_indirect_dma source(%dma_start3A_16 : memref<8192x512xf32, #tpu.memory_space<hbm>>) target(%arg8 : memref<32x512xf32, #tpu.memory_space<vmem>>) offsets(%dma_start3A_13 : memref<32xi32, #tpu.memory_space<vmem>>) semaphore(%arg12 : memref<!tpu.dma_semaphore, #tpu.memory_space<semaphore_mem>>)
    %dma_start3A_17 = arith.constant 96 : i32
    %dma_start3A_18 = tpu.memref_slice %arg5[%dma_start3A_17] : memref<8192xi32, #tpu.memory_space<vmem>> -> memref<32xi32, #tpu.memory_space<vmem>>
    %dma_start3A_19 = arith.constant 0 : i32
    %dma_start3A_20 = arith.constant 0 : i32
    %dma_start3A_21 = tpu.memref_slice %arg2[%dma_start3A_19, %dma_start3A_20] : memref<8192x512xf32, #tpu.memory_space<hbm>> -> memref<8192x512xf32, #tpu.memory_space<hbm>>
    tpu.enqueue_indirect_dma source(%dma_start3A_21 : memref<8192x512xf32, #tpu.memory_space<hbm>>) target(%arg9 : memref<32x512xf32, #tpu.memory_space<vmem>>) offsets(%dma_start3A_18 : memref<32xi32, #tpu.memory_space<vmem>>) semaphore(%arg13 : memref<!tpu.dma_semaphore, #tpu.memory_space<semaphore_mem>>)
    %scan3A = arith.constant 0 : i32
    %scan3A_22 = arith.constant 63 : i32
    %scan3A_23 = arith.addi %scan3A, %scan3A_22 : i32
    %scan3A_24 = arith.constant 1 : i32
    scf.for %scan3A_93 = %scan3A to %scan3A_23 step %scan3A_24  : i32 {
      %mul3A_94 = arith.constant 4 : i32
      %mul3A_95 = arith.muli %scan3A_93, %mul3A_94 : i32
      %add3A_96 = arith.constant 0 : i32
      %add3A_97 = arith.addi %add3A_96, %mul3A_95 : i32
      %mul3A_98 = arith.constant 32 : i32
      %mul3A_99 = arith.muli %add3A_97, %mul3A_98 : i32
      %add3A_100 = arith.constant 0 : i32
      %add3A_101 = arith.addi %mul3A_99, %add3A_100 : i32
      %dma_wait3A_102 = tpu.memref_slice %arg5[%add3A_101] : memref<8192xi32, #tpu.memory_space<vmem>> -> memref<32xi32, #tpu.memory_space<vmem>>
      %dma_wait3A_103 = arith.constant 0 : i32
      %dma_wait3A_104 = arith.constant 0 : i32
      %dma_wait3A_105 = tpu.memref_slice %arg2[%dma_wait3A_103, %dma_wait3A_104] : memref<8192x512xf32, #tpu.memory_space<hbm>> -> memref<8192x512xf32, #tpu.memory_space<hbm>>
      tpu.wait_indirect_dma semaphore(%arg10 : memref<!tpu.dma_semaphore, #tpu.memory_space<semaphore_mem>>) src(%dma_wait3A_105 : memref<8192x512xf32, #tpu.memory_space<hbm>>) dst(%arg6 : memref<32x512xf32, #tpu.memory_space<vmem>>)
      %add3A_106 = arith.constant 0 : i32
      %add3A_107 = arith.addi %mul3A_99, %add3A_106 : i32
      %add3A_108 = arith.addi %mul3A_2, %add3A_107 : i32
      %dma_start3A_109 = arith.constant 0 : i32
      %dma_start3A_110 = tpu.memref_slice %arg4[%add3A_108, %dma_start3A_109] : memref<262144x512xf32, #tpu.memory_space<hbm>> -> memref<32x512xf32, #tpu.memory_space<hbm>>
      %dma_start3A_111 = arith.constant 0 : i32
      %dma_start3A_112 = tpu.memref_slice %arg4[%add3A_108, %dma_start3A_111] : memref<262144x512xf32, #tpu.memory_space<hbm>> -> memref<32x512xf32, #tpu.memory_space<hbm>>
      tpu.enqueue_dma source(%arg6 : memref<32x512xf32, #tpu.memory_space<vmem>>) target(%dma_start3A_112 : memref<32x512xf32, #tpu.memory_space<hbm>>) target_semaphore(%arg14 : memref<!tpu.dma_semaphore, #tpu.memory_space<semaphore_mem>>)
      %add3A_113 = arith.constant 32 : i32
      %add3A_114 = arith.addi %mul3A_99, %add3A_113 : i32
      %dma_wait3A_115 = tpu.memref_slice %arg5[%add3A_114] : memref<8192xi32, #tpu.memory_space<vmem>> -> memref<32xi32, #tpu.memory_space<vmem>>
      %dma_wait3A_116 = arith.constant 0 : i32
      %dma_wait3A_117 = arith.constant 0 : i32
      %dma_wait3A_118 = tpu.memref_slice %arg2[%dma_wait3A_116, %dma_wait3A_117] : memref<8192x512xf32, #tpu.memory_space<hbm>> -> memref<8192x512xf32, #tpu.memory_space<hbm>>
      tpu.wait_indirect_dma semaphore(%arg11 : memref<!tpu.dma_semaphore, #tpu.memory_space<semaphore_mem>>) src(%dma_wait3A_118 : memref<8192x512xf32, #tpu.memory_space<hbm>>) dst(%arg7 : memref<32x512xf32, #tpu.memory_space<vmem>>)
      %add3A_119 = arith.constant 32 : i32
      %add3A_120 = arith.addi %mul3A_99, %add3A_119 : i32
      %add3A_121 = arith.addi %mul3A_2, %add3A_120 : i32
      %dma_start3A_122 = arith.constant 0 : i32
      %dma_start3A_123 = tpu.memref_slice %arg4[%add3A_121, %dma_start3A_122] : memref<262144x512xf32, #tpu.memory_space<hbm>> -> memref<32x512xf32, #tpu.memory_space<hbm>>
      %dma_start3A_124 = arith.constant 0 : i32
      %dma_start3A_125 = tpu.memref_slice %arg4[%add3A_121, %dma_start3A_124] : memref<262144x512xf32, #tpu.memory_space<hbm>> -> memref<32x512xf32, #tpu.memory_space<hbm>>
      tpu.enqueue_dma source(%arg7 : memref<32x512xf32, #tpu.memory_space<vmem>>) target(%dma_start3A_125 : memref<32x512xf32, #tpu.memory_space<hbm>>) target_semaphore(%arg15 : memref<!tpu.dma_semaphore, #tpu.memory_space<semaphore_mem>>)
      %add3A_126 = arith.constant 64 : i32
      %add3A_127 = arith.addi %mul3A_99, %add3A_126 : i32
      %dma_wait3A_128 = tpu.memref_slice %arg5[%add3A_127] : memref<8192xi32, #tpu.memory_space<vmem>> -> memref<32xi32, #tpu.memory_space<vmem>>
      %dma_wait3A_129 = arith.constant 0 : i32
      %dma_wait3A_130 = arith.constant 0 : i32
      %dma_wait3A_131 = tpu.memref_slice %arg2[%dma_wait3A_129, %dma_wait3A_130] : memref<8192x512xf32, #tpu.memory_space<hbm>> -> memref<8192x512xf32, #tpu.memory_space<hbm>>
      tpu.wait_indirect_dma semaphore(%arg12 : memref<!tpu.dma_semaphore, #tpu.memory_space<semaphore_mem>>) src(%dma_wait3A_131 : memref<8192x512xf32, #tpu.memory_space<hbm>>) dst(%arg8 : memref<32x512xf32, #tpu.memory_space<vmem>>)
      %add3A_132 = arith.constant 64 : i32
      %add3A_133 = arith.addi %mul3A_99, %add3A_132 : i32
      %add3A_134 = arith.addi %mul3A_2, %add3A_133 : i32
      %dma_start3A_135 = arith.constant 0 : i32
      %dma_start3A_136 = tpu.memref_slice %arg4[%add3A_134, %dma_start3A_135] : memref<262144x512xf32, #tpu.memory_space<hbm>> -> memref<32x512xf32, #tpu.memory_space<hbm>>
      %dma_start3A_137 = arith.constant 0 : i32
      %dma_start3A_138 = tpu.memref_slice %arg4[%add3A_134, %dma_start3A_137] : memref<262144x512xf32, #tpu.memory_space<hbm>> -> memref<32x512xf32, #tpu.memory_space<hbm>>
      tpu.enqueue_dma source(%arg8 : memref<32x512xf32, #tpu.memory_space<vmem>>) target(%dma_start3A_138 : memref<32x512xf32, #tpu.memory_space<hbm>>) target_semaphore(%arg16 : memref<!tpu.dma_semaphore, #tpu.memory_space<semaphore_mem>>)
      %add3A_139 = arith.constant 96 : i32
      %add3A_140 = arith.addi %mul3A_99, %add3A_139 : i32
      %dma_wait3A_141 = tpu.memref_slice %arg5[%add3A_140] : memref<8192xi32, #tpu.memory_space<vmem>> -> memref<32xi32, #tpu.memory_space<vmem>>
      %dma_wait3A_142 = arith.constant 0 : i32
      %dma_wait3A_143 = arith.constant 0 : i32
      %dma_wait3A_144 = tpu.memref_slice %arg2[%dma_wait3A_142, %dma_wait3A_143] : memref<8192x512xf32, #tpu.memory_space<hbm>> -> memref<8192x512xf32, #tpu.memory_space<hbm>>
      tpu.wait_indirect_dma semaphore(%arg13 : memref<!tpu.dma_semaphore, #tpu.memory_space<semaphore_mem>>) src(%dma_wait3A_144 : memref<8192x512xf32, #tpu.memory_space<hbm>>) dst(%arg9 : memref<32x512xf32, #tpu.memory_space<vmem>>)
      %add3A_145 = arith.constant 96 : i32
      %add3A_146 = arith.addi %mul3A_99, %add3A_145 : i32
      %add3A_147 = arith.addi %mul3A_2, %add3A_146 : i32
      %dma_start3A_148 = arith.constant 0 : i32
      %dma_start3A_149 = tpu.memref_slice %arg4[%add3A_147, %dma_start3A_148] : memref<262144x512xf32, #tpu.memory_space<hbm>> -> memref<32x512xf32, #tpu.memory_space<hbm>>
      %dma_start3A_150 = arith.constant 0 : i32
      %dma_start3A_151 = tpu.memref_slice %arg4[%add3A_147, %dma_start3A_150] : memref<262144x512xf32, #tpu.memory_space<hbm>> -> memref<32x512xf32, #tpu.memory_space<hbm>>
      tpu.enqueue_dma source(%arg9 : memref<32x512xf32, #tpu.memory_space<vmem>>) target(%dma_start3A_151 : memref<32x512xf32, #tpu.memory_space<hbm>>) target_semaphore(%arg17 : memref<!tpu.dma_semaphore, #tpu.memory_space<semaphore_mem>>)
      %add3A_152 = arith.constant 0 : i32
      %add3A_153 = arith.addi %mul3A_99, %add3A_152 : i32
      %add3A_154 = arith.addi %mul3A_2, %add3A_153 : i32
      %dma_wait3A_155 = arith.constant 0 : i32
      %dma_wait3A_156 = tpu.memref_slice %arg4[%add3A_154, %dma_wait3A_155] : memref<262144x512xf32, #tpu.memory_space<hbm>> -> memref<32x512xf32, #tpu.memory_space<hbm>>
      %dma_wait3A_157 = arith.constant 0 : i32
      %dma_wait3A_158 = tpu.memref_slice %arg4[%add3A_154, %dma_wait3A_157] : memref<262144x512xf32, #tpu.memory_space<hbm>> -> memref<32x512xf32, #tpu.memory_space<hbm>>
      tpu.wait_dma2 semaphore(%arg14 : memref<!tpu.dma_semaphore, #tpu.memory_space<semaphore_mem>>) src(%arg6 : memref<32x512xf32, #tpu.memory_space<vmem>>) dst(%dma_wait3A_158 : memref<32x512xf32, #tpu.memory_space<hbm>>)
      %add3A_159 = arith.constant 128 : i32
      %add3A_160 = arith.addi %mul3A_99, %add3A_159 : i32
      %dma_start3A_161 = tpu.memref_slice %arg5[%add3A_160] : memref<8192xi32, #tpu.memory_space<vmem>> -> memref<32xi32, #tpu.memory_space<vmem>>
      %dma_start3A_162 = arith.constant 0 : i32
      %dma_start3A_163 = arith.constant 0 : i32
      %dma_start3A_164 = tpu.memref_slice %arg2[%dma_start3A_162, %dma_start3A_163] : memref<8192x512xf32, #tpu.memory_space<hbm>> -> memref<8192x512xf32, #tpu.memory_space<hbm>>
      tpu.enqueue_indirect_dma source(%dma_start3A_164 : memref<8192x512xf32, #tpu.memory_space<hbm>>) target(%arg6 : memref<32x512xf32, #tpu.memory_space<vmem>>) offsets(%dma_start3A_161 : memref<32xi32, #tpu.memory_space<vmem>>) semaphore(%arg10 : memref<!tpu.dma_semaphore, #tpu.memory_space<semaphore_mem>>)
      %add3A_165 = arith.constant 32 : i32
      %add3A_166 = arith.addi %mul3A_99, %add3A_165 : i32
      %add3A_167 = arith.addi %mul3A_2, %add3A_166 : i32
      %dma_wait3A_168 = arith.constant 0 : i32
      %dma_wait3A_169 = tpu.memref_slice %arg4[%add3A_167, %dma_wait3A_168] : memref<262144x512xf32, #tpu.memory_space<hbm>> -> memref<32x512xf32, #tpu.memory_space<hbm>>
      %dma_wait3A_170 = arith.constant 0 : i32
      %dma_wait3A_171 = tpu.memref_slice %arg4[%add3A_167, %dma_wait3A_170] : memref<262144x512xf32, #tpu.memory_space<hbm>> -> memref<32x512xf32, #tpu.memory_space<hbm>>
      tpu.wait_dma2 semaphore(%arg15 : memref<!tpu.dma_semaphore, #tpu.memory_space<semaphore_mem>>) src(%arg7 : memref<32x512xf32, #tpu.memory_space<vmem>>) dst(%dma_wait3A_171 : memref<32x512xf32, #tpu.memory_space<hbm>>)
      %add3A_172 = arith.constant 160 : i32
      %add3A_173 = arith.addi %mul3A_99, %add3A_172 : i32
      %dma_start3A_174 = tpu.memref_slice %arg5[%add3A_173] : memref<8192xi32, #tpu.memory_space<vmem>> -> memref<32xi32, #tpu.memory_space<vmem>>
      %dma_start3A_175 = arith.constant 0 : i32
      %dma_start3A_176 = arith.constant 0 : i32
      %dma_start3A_177 = tpu.memref_slice %arg2[%dma_start3A_175, %dma_start3A_176] : memref<8192x512xf32, #tpu.memory_space<hbm>> -> memref<8192x512xf32, #tpu.memory_space<hbm>>
      tpu.enqueue_indirect_dma source(%dma_start3A_177 : memref<8192x512xf32, #tpu.memory_space<hbm>>) target(%arg7 : memref<32x512xf32, #tpu.memory_space<vmem>>) offsets(%dma_start3A_174 : memref<32xi32, #tpu.memory_space<vmem>>) semaphore(%arg11 : memref<!tpu.dma_semaphore, #tpu.memory_space<semaphore_mem>>)
      %add3A_178 = arith.constant 64 : i32
      %add3A_179 = arith.addi %mul3A_99, %add3A_178 : i32
      %add3A_180 = arith.addi %mul3A_2, %add3A_179 : i32
      %dma_wait3A_181 = arith.constant 0 : i32
      %dma_wait3A_182 = tpu.memref_slice %arg4[%add3A_180, %dma_wait3A_181] : memref<262144x512xf32, #tpu.memory_space<hbm>> -> memref<32x512xf32, #tpu.memory_space<hbm>>
      %dma_wait3A_183 = arith.constant 0 : i32
      %dma_wait3A_184 = tpu.memref_slice %arg4[%add3A_180, %dma_wait3A_183] : memref<262144x512xf32, #tpu.memory_space<hbm>> -> memref<32x512xf32, #tpu.memory_space<hbm>>
      tpu.wait_dma2 semaphore(%arg16 : memref<!tpu.dma_semaphore, #tpu.memory_space<semaphore_mem>>) src(%arg8 : memref<32x512xf32, #tpu.memory_space<vmem>>) dst(%dma_wait3A_184 : memref<32x512xf32, #tpu.memory_space<hbm>>)
      %add3A_185 = arith.constant 192 : i32
      %add3A_186 = arith.addi %mul3A_99, %add3A_185 : i32
      %dma_start3A_187 = tpu.memref_slice %arg5[%add3A_186] : memref<8192xi32, #tpu.memory_space<vmem>> -> memref<32xi32, #tpu.memory_space<vmem>>
      %dma_start3A_188 = arith.constant 0 : i32
      %dma_start3A_189 = arith.constant 0 : i32
      %dma_start3A_190 = tpu.memref_slice %arg2[%dma_start3A_188, %dma_start3A_189] : memref<8192x512xf32, #tpu.memory_space<hbm>> -> memref<8192x512xf32, #tpu.memory_space<hbm>>
      tpu.enqueue_indirect_dma source(%dma_start3A_190 : memref<8192x512xf32, #tpu.memory_space<hbm>>) target(%arg8 : memref<32x512xf32, #tpu.memory_space<vmem>>) offsets(%dma_start3A_187 : memref<32xi32, #tpu.memory_space<vmem>>) semaphore(%arg12 : memref<!tpu.dma_semaphore, #tpu.memory_space<semaphore_mem>>)
      %add3A_191 = arith.constant 96 : i32
      %add3A_192 = arith.addi %mul3A_99, %add3A_191 : i32
      %add3A_193 = arith.addi %mul3A_2, %add3A_192 : i32
      %dma_wait3A_194 = arith.constant 0 : i32
      %dma_wait3A_195 = tpu.memref_slice %arg4[%add3A_193, %dma_wait3A_194] : memref<262144x512xf32, #tpu.memory_space<hbm>> -> memref<32x512xf32, #tpu.memory_space<hbm>>
      %dma_wait3A_196 = arith.constant 0 : i32
      %dma_wait3A_197 = tpu.memref_slice %arg4[%add3A_193, %dma_wait3A_196] : memref<262144x512xf32, #tpu.memory_space<hbm>> -> memref<32x512xf32, #tpu.memory_space<hbm>>
      tpu.wait_dma2 semaphore(%arg17 : memref<!tpu.dma_semaphore, #tpu.memory_space<semaphore_mem>>) src(%arg9 : memref<32x512xf32, #tpu.memory_space<vmem>>) dst(%dma_wait3A_197 : memref<32x512xf32, #tpu.memory_space<hbm>>)
      %add3A_198 = arith.constant 224 : i32
      %add3A_199 = arith.addi %mul3A_99, %add3A_198 : i32
      %dma_start3A_200 = tpu.memref_slice %arg5[%add3A_199] : memref<8192xi32, #tpu.memory_space<vmem>> -> memref<32xi32, #tpu.memory_space<vmem>>
      %dma_start3A_201 = arith.constant 0 : i32
      %dma_start3A_202 = arith.constant 0 : i32
      %dma_start3A_203 = tpu.memref_slice %arg2[%dma_start3A_201, %dma_start3A_202] : memref<8192x512xf32, #tpu.memory_space<hbm>> -> memref<8192x512xf32, #tpu.memory_space<hbm>>
      tpu.enqueue_indirect_dma source(%dma_start3A_203 : memref<8192x512xf32, #tpu.memory_space<hbm>>) target(%arg9 : memref<32x512xf32, #tpu.memory_space<vmem>>) offsets(%dma_start3A_200 : memref<32xi32, #tpu.memory_space<vmem>>) semaphore(%arg13 : memref<!tpu.dma_semaphore, #tpu.memory_space<semaphore_mem>>)
    }
    %scan3A_25 = arith.constant 63 : i32
    %dma_wait3A = arith.constant 8064 : i32
    %dma_wait3A_26 = tpu.memref_slice %arg5[%dma_wait3A] : memref<8192xi32, #tpu.memory_space<vmem>> -> memref<32xi32, #tpu.memory_space<vmem>>
    %dma_wait3A_27 = arith.constant 0 : i32
    %dma_wait3A_28 = arith.constant 0 : i32
    %dma_wait3A_29 = tpu.memref_slice %arg2[%dma_wait3A_27, %dma_wait3A_28] : memref<8192x512xf32, #tpu.memory_space<hbm>> -> memref<8192x512xf32, #tpu.memory_space<hbm>>
    tpu.wait_indirect_dma semaphore(%arg10 : memref<!tpu.dma_semaphore, #tpu.memory_space<semaphore_mem>>) src(%dma_wait3A_29 : memref<8192x512xf32, #tpu.memory_space<hbm>>) dst(%arg6 : memref<32x512xf32, #tpu.memory_space<vmem>>)
    %add3A_30 = arith.constant 8064 : i32
    %add3A_31 = arith.addi %mul3A_2, %add3A_30 : i32
    %dma_start3A_32 = arith.constant 0 : i32
    %dma_start3A_33 = tpu.memref_slice %arg4[%add3A_31, %dma_start3A_32] : memref<262144x512xf32, #tpu.memory_space<hbm>> -> memref<32x512xf32, #tpu.memory_space<hbm>>
    %dma_start3A_34 = arith.constant 0 : i32
    %dma_start3A_35 = tpu.memref_slice %arg4[%add3A_31, %dma_start3A_34] : memref<262144x512xf32, #tpu.memory_space<hbm>> -> memref<32x512xf32, #tpu.memory_space<hbm>>
    tpu.enqueue_dma source(%arg6 : memref<32x512xf32, #tpu.memory_space<vmem>>) target(%dma_start3A_35 : memref<32x512xf32, #tpu.memory_space<hbm>>) target_semaphore(%arg14 : memref<!tpu.dma_semaphore, #tpu.memory_space<semaphore_mem>>)
    %dma_wait3A_36 = arith.constant 8096 : i32
    %dma_wait3A_37 = tpu.memref_slice %arg5[%dma_wait3A_36] : memref<8192xi32, #tpu.memory_space<vmem>> -> memref<32xi32, #tpu.memory_space<vmem>>
    %dma_wait3A_38 = arith.constant 0 : i32
    %dma_wait3A_39 = arith.constant 0 : i32
    %dma_wait3A_40 = tpu.memref_slice %arg2[%dma_wait3A_38, %dma_wait3A_39] : memref<8192x512xf32, #tpu.memory_space<hbm>> -> memref<8192x512xf32, #tpu.memory_space<hbm>>
    tpu.wait_indirect_dma semaphore(%arg11 : memref<!tpu.dma_semaphore, #tpu.memory_space<semaphore_mem>>) src(%dma_wait3A_40 : memref<8192x512xf32, #tpu.memory_space<hbm>>) dst(%arg7 : memref<32x512xf32, #tpu.memory_space<vmem>>)
    %add3A_41 = arith.constant 8096 : i32
    %add3A_42 = arith.addi %mul3A_2, %add3A_41 : i32
    %dma_start3A_43 = arith.constant 0 : i32
    %dma_start3A_44 = tpu.memref_slice %arg4[%add3A_42, %dma_start3A_43] : memref<262144x512xf32, #tpu.memory_space<hbm>> -> memref<32x512xf32, #tpu.memory_space<hbm>>
    %dma_start3A_45 = arith.constant 0 : i32
    %dma_start3A_46 = tpu.memref_slice %arg4[%add3A_42, %dma_start3A_45] : memref<262144x512xf32, #tpu.memory_space<hbm>> -> memref<32x512xf32, #tpu.memory_space<hbm>>
    tpu.enqueue_dma source(%arg7 : memref<32x512xf32, #tpu.memory_space<vmem>>) target(%dma_start3A_46 : memref<32x512xf32, #tpu.memory_space<hbm>>) target_semaphore(%arg15 : memref<!tpu.dma_semaphore, #tpu.memory_space<semaphore_mem>>)
    %dma_wait3A_47 = arith.constant 8128 : i32
    %dma_wait3A_48 = tpu.memref_slice %arg5[%dma_wait3A_47] : memref<8192xi32, #tpu.memory_space<vmem>> -> memref<32xi32, #tpu.memory_space<vmem>>
    %dma_wait3A_49 = arith.constant 0 : i32
    %dma_wait3A_50 = arith.constant 0 : i32
    %dma_wait3A_51 = tpu.memref_slice %arg2[%dma_wait3A_49, %dma_wait3A_50] : memref<8192x512xf32, #tpu.memory_space<hbm>> -> memref<8192x512xf32, #tpu.memory_space<hbm>>
    tpu.wait_indirect_dma semaphore(%arg12 : memref<!tpu.dma_semaphore, #tpu.memory_space<semaphore_mem>>) src(%dma_wait3A_51 : memref<8192x512xf32, #tpu.memory_space<hbm>>) dst(%arg8 : memref<32x512xf32, #tpu.memory_space<vmem>>)
    %add3A_52 = arith.constant 8128 : i32
    %add3A_53 = arith.addi %mul3A_2, %add3A_52 : i32
    %dma_start3A_54 = arith.constant 0 : i32
    %dma_start3A_55 = tpu.memref_slice %arg4[%add3A_53, %dma_start3A_54] : memref<262144x512xf32, #tpu.memory_space<hbm>> -> memref<32x512xf32, #tpu.memory_space<hbm>>
    %dma_start3A_56 = arith.constant 0 : i32
    %dma_start3A_57 = tpu.memref_slice %arg4[%add3A_53, %dma_start3A_56] : memref<262144x512xf32, #tpu.memory_space<hbm>> -> memref<32x512xf32, #tpu.memory_space<hbm>>
    tpu.enqueue_dma source(%arg8 : memref<32x512xf32, #tpu.memory_space<vmem>>) target(%dma_start3A_57 : memref<32x512xf32, #tpu.memory_space<hbm>>) target_semaphore(%arg16 : memref<!tpu.dma_semaphore, #tpu.memory_space<semaphore_mem>>)
    %dma_wait3A_58 = arith.constant 8160 : i32
    %dma_wait3A_59 = tpu.memref_slice %arg5[%dma_wait3A_58] : memref<8192xi32, #tpu.memory_space<vmem>> -> memref<32xi32, #tpu.memory_space<vmem>>
    %dma_wait3A_60 = arith.constant 0 : i32
    %dma_wait3A_61 = arith.constant 0 : i32
    %dma_wait3A_62 = tpu.memref_slice %arg2[%dma_wait3A_60, %dma_wait3A_61] : memref<8192x512xf32, #tpu.memory_space<hbm>> -> memref<8192x512xf32, #tpu.memory_space<hbm>>
    tpu.wait_indirect_dma semaphore(%arg13 : memref<!tpu.dma_semaphore, #tpu.memory_space<semaphore_mem>>) src(%dma_wait3A_62 : memref<8192x512xf32, #tpu.memory_space<hbm>>) dst(%arg9 : memref<32x512xf32, #tpu.memory_space<vmem>>)
    %add3A_63 = arith.constant 8160 : i32
    %add3A_64 = arith.addi %mul3A_2, %add3A_63 : i32
    %dma_start3A_65 = arith.constant 0 : i32
    %dma_start3A_66 = tpu.memref_slice %arg4[%add3A_64, %dma_start3A_65] : memref<262144x512xf32, #tpu.memory_space<hbm>> -> memref<32x512xf32, #tpu.memory_space<hbm>>
    %dma_start3A_67 = arith.constant 0 : i32
    %dma_start3A_68 = tpu.memref_slice %arg4[%add3A_64, %dma_start3A_67] : memref<262144x512xf32, #tpu.memory_space<hbm>> -> memref<32x512xf32, #tpu.memory_space<hbm>>
    tpu.enqueue_dma source(%arg9 : memref<32x512xf32, #tpu.memory_space<vmem>>) target(%dma_start3A_68 : memref<32x512xf32, #tpu.memory_space<hbm>>) target_semaphore(%arg17 : memref<!tpu.dma_semaphore, #tpu.memory_space<semaphore_mem>>)
    %add3A_69 = arith.constant 8064 : i32
    %add3A_70 = arith.addi %mul3A_2, %add3A_69 : i32
    %dma_wait3A_71 = arith.constant 0 : i32
    %dma_wait3A_72 = tpu.memref_slice %arg4[%add3A_70, %dma_wait3A_71] : memref<262144x512xf32, #tpu.memory_space<hbm>> -> memref<32x512xf32, #tpu.memory_space<hbm>>
    %dma_wait3A_73 = arith.constant 0 : i32
    %dma_wait3A_74 = tpu.memref_slice %arg4[%add3A_70, %dma_wait3A_73] : memref<262144x512xf32, #tpu.memory_space<hbm>> -> memref<32x512xf32, #tpu.memory_space<hbm>>
    tpu.wait_dma2 semaphore(%arg14 : memref<!tpu.dma_semaphore, #tpu.memory_space<semaphore_mem>>) src(%arg6 : memref<32x512xf32, #tpu.memory_space<vmem>>) dst(%dma_wait3A_74 : memref<32x512xf32, #tpu.memory_space<hbm>>)
    %add3A_75 = arith.constant 8096 : i32
    %add3A_76 = arith.addi %mul3A_2, %add3A_75 : i32
    %dma_wait3A_77 = arith.constant 0 : i32
    %dma_wait3A_78 = tpu.memref_slice %arg4[%add3A_76, %dma_wait3A_77] : memref<262144x512xf32, #tpu.memory_space<hbm>> -> memref<32x512xf32, #tpu.memory_space<hbm>>
    %dma_wait3A_79 = arith.constant 0 : i32
    %dma_wait3A_80 = tpu.memref_slice %arg4[%add3A_76, %dma_wait3A_79] : memref<262144x512xf32, #tpu.memory_space<hbm>> -> memref<32x512xf32, #tpu.memory_space<hbm>>
    tpu.wait_dma2 semaphore(%arg15 : memref<!tpu.dma_semaphore, #tpu.memory_space<semaphore_mem>>) src(%arg7 : memref<32x512xf32, #tpu.memory_space<vmem>>) dst(%dma_wait3A_80 : memref<32x512xf32, #tpu.memory_space<hbm>>)
    %add3A_81 = arith.constant 8128 : i32
    %add3A_82 = arith.addi %mul3A_2, %add3A_81 : i32
    %dma_wait3A_83 = arith.constant 0 : i32
    %dma_wait3A_84 = tpu.memref_slice %arg4[%add3A_82, %dma_wait3A_83] : memref<262144x512xf32, #tpu.memory_space<hbm>> -> memref<32x512xf32, #tpu.memory_space<hbm>>
    %dma_wait3A_85 = arith.constant 0 : i32
    %dma_wait3A_86 = tpu.memref_slice %arg4[%add3A_82, %dma_wait3A_85] : memref<262144x512xf32, #tpu.memory_space<hbm>> -> memref<32x512xf32, #tpu.memory_space<hbm>>
    tpu.wait_dma2 semaphore(%arg16 : memref<!tpu.dma_semaphore, #tpu.memory_space<semaphore_mem>>) src(%arg8 : memref<32x512xf32, #tpu.memory_space<vmem>>) dst(%dma_wait3A_86 : memref<32x512xf32, #tpu.memory_space<hbm>>)
    %add3A_87 = arith.constant 8160 : i32
    %add3A_88 = arith.addi %mul3A_2, %add3A_87 : i32
    %dma_wait3A_89 = arith.constant 0 : i32
    %dma_wait3A_90 = tpu.memref_slice %arg4[%add3A_88, %dma_wait3A_89] : memref<262144x512xf32, #tpu.memory_space<hbm>> -> memref<32x512xf32, #tpu.memory_space<hbm>>
    %dma_wait3A_91 = arith.constant 0 : i32
    %dma_wait3A_92 = tpu.memref_slice %arg4[%add3A_88, %dma_wait3A_91] : memref<262144x512xf32, #tpu.memory_space<hbm>> -> memref<32x512xf32, #tpu.memory_space<hbm>>
    tpu.wait_dma2 semaphore(%arg17 : memref<!tpu.dma_semaphore, #tpu.memory_space<semaphore_mem>>) src(%arg9 : memref<32x512xf32, #tpu.memory_space<vmem>>) dst(%dma_wait3A_92 : memref<32x512xf32, #tpu.memory_space<hbm>>)
    return
  }
}

</mosaic_0001>

<sc_bundles>
// kernel: kernel.3.cloned.1.call-start
scs
__scs_entry_jumppad:
0x0: {  	(pc) =	sbr.rel $0x88, $3  }
0x1: {  	(tag) =	ssettag $0x0;
	lr =	simm.s32 $0x1  }
0x2: {  	[smem:$0x3F9F] =	sst lr;
	_ =	strace $0xD0000000  }
0x3: {  	_ = 	snop  }
0x4: {  	_ = 	snop  }
0x5: {  	_ = 	snop  }
0x6: {  	_ = 	snop  }
0x7: {  	_ = 	snop  }
__scs_overlays_trampoline_lowered:
0x8: {  	[smem:$0x3FAE] =	sst s0  }
0x9: {  	[smem:$0x3FAF] =	sst s1  }
0xa: {  	[smem:$0x3FB0] =	sst s2  }
0xb: {  	[smem:$0x3FB1] =	sst s3  }
0xc: {  	[smem:$0x3FB2] =	sst s4  }
0xd: {  	[smem:$0x3FB3] =	sst s5  }
0xe: {  	[smem:$0x3FB4] =	sst s6  }
0xf: {  	[smem:$0x3FB5] =	sst s7  }
0x10: {  	[smem:$0x3FB6] =	sst s8  }
0x11: {  	[smem:$0x3FB7] =	sst s9;
	s0 =	simm.s32 @!p0 $0x0  }
0x12: {  	s1 =	sld [smem:$0x3F9D];
	s0 =	simm.s32 @p0 $0x1  }
0x13: {  	[smem:$0x3FB8] =	sst s0;
	s0 =	simm.s32 @!p1 $0x0  }
0x14: {  	s2 =	sld [smem:$0x3F9C];
	s0 =	simm.s32 @p1 $0x1  }
0x15: {  	[smem:$0x3FB9] =	sst s0;
	s0 =	simm.s32 @!p2 $0x0  }
0x16: {  	s3 =	sld [smem:$0x3FDB];
	s0 =	simm.s32 @p2 $0x1  }
0x17: {  	s4 =	simm.s32 $0x1BF5;
	[smem:$0x3FBB] =	sst s0  }
0x18: {  	s0 =	sld [smem:$0x3F9E];
	_ =	swait.ge [sflag:s4], $0x0  }
0x19: {  	s7 =	sld [smem:$0x3F9F]  }
0x1a: {  	s8 =	sadd.s32 $0xFFFFE003, lr  }
0x1b: {  	s9 =	sadd.s32 $0xFFFFFEF7, lr;
	s5 =	simm.s32 $0xFFFFFFFF;
	p2 =	slt.u32 s8, $0xFFFFF086  }
0x1c: {  	p1 =	slt.u32 s9, $0xF7A;
	s5 =	simm.s32 @!p2 $0x0  }
0x1d: {  	s5 =	simm.s32 @p1 $0x1;
	p0 =	seq.s32 s7, s2  }
0x1e: {  	s7 =	smul.u32 @!p0 $0xF7A, s2;
	p2 =	seq.s32 @!p0 s5, $0x0  }
0x1f: {  	s9 =	smul.u32 $0xF7A, s1;
	s8 =	simm.s32 @!p0 $0x1BF5;
	p2 =	por !p2, p0  }
0x20: {  	[sflag:s8] =	ssyncset.s32 @!p0 $0xFFFFF086;
	s6 =	sadd.s32 @!p0 s3, s7;
	s7 =	simm.s32 @!p0 $0x108  }
0x21: {  	s3 =	sadd.s32 s3, s9;
	s6 =	sadd.s32 @!p0 $0x88, s6;
	s7 =	simm.s32 @p2 $0x1082  }
0x22: {  	[simem:s7], [sflag:s8] =	dma.local @!p0 [hbm:s6], $0xF7A  }
0x23: {  	s9 =	sor.u32 $0xD0000000, s2;
	s6 =	simm.s32 $0x108;
	_ =	swait.ge @!p0 [sflag:s8], $0x0  }
0x24: {  	s3 =	sadd.s32 $0x88, s3;
	s6 =	simm.s32 @!p1 $0x1082;
	[sflag:s4] =	ssyncset.s32 $0xFFFFF086  }
0x25: {  	[simem:s6], [sflag:s4] =	dma.local [hbm:s3], $0xF7A  }
0x26: {  	[smem:$0x3F9F] =	sst s1;
	(tag) =	ssettag s2;
	_ =	strace s9  }
0x27: {  	s1 =	sld [smem:$0x3FAF]  }
0x28: {  	s2 =	sld [smem:$0x3FB0]  }
0x29: {  	s4 =	sld [smem:$0x3FB2]  }
0x2a: {  	p0 =	seq.s32 s5, $0x0;
	s5 =	sld [smem:$0x3FB3]  }
0x2b: {  	s6 =	sld [smem:$0x3FB4]  }
0x2c: {  	s7 =	sld [smem:$0x3FB5]  }
0x2d: {  	s3 =	simm.s32 $0x108;
	s8 =	sld [smem:$0x3FB6]  }
0x2e: {  	s3 =	simm.s32 @!p0 $0x1082;
	s9 =	sld [smem:$0x3FB7]  }
0x2f: {  	lr =	sadd.s32 s0, s3;
	s0 =	sld [smem:$0x3FAE]  }
0x30: {  	s3 =	sld [smem:$0x3FB1]  }
0x31: {  	[smem:$0x3FBA] =	sst s10  }
0x32: {  	s10 =	sld [smem:$0x3FB8];
	_ =	sdelay $0x3  }
0x33: {  	p0 =	seq.s32 s10, $0x1;
	s10 =	sld [smem:$0x3FBA];
	_ =	sdelay $0x3  }
0x34: {  	[smem:$0x3FBA] =	sst s10  }
0x35: {  	s10 =	sld [smem:$0x3FB9];
	_ =	sdelay $0x3  }
0x36: {  	p1 =	seq.s32 s10, $0x1;
	s10 =	sld [smem:$0x3FBA];
	_ =	sdelay $0x3  }
0x37: {  	[smem:$0x3FBA] =	sst s10  }
0x38: {  	s10 =	sld [smem:$0x3FBB]  }
0x39: {  	_ = 	snop;
	(pc) =	sbr.ind lr, $3  }
0x3a: {  	_ = 	snop  }
0x3b: {  	_ = 	snop  }
0x3c: {  	p2 =	seq.s32 s10, $0x1;
	s10 =	sld [smem:$0x3FBA]  }
0x3d: {  	_ =	shalt  }
0x3e: {  	_ =	shalt  }
0x3f: {  	_ =	shalt  }
0x40: {  	_ =	shalt  }
0x41: {  	_ =	shalt  }
0x42: {  	_ =	shalt  }
0x43: {  	_ =	shalt  }
0x44: {  	_ =	shalt  }
0x45: {  	_ =	shalt  }
0x46: {  	_ =	shalt  }
0x47: {  	_ =	shalt  }
0x48: {  	_ =	shalt  }
0x49: {  	_ =	shalt  }
0x4a: {  	_ =	shalt  }
0x4b: {  	_ =	shalt  }
0x4c: {  	_ =	shalt  }
0x4d: {  	_ =	shalt  }
0x4e: {  	_ =	shalt  }
0x4f: {  	_ =	shalt  }
0x50: {  	_ =	shalt  }
0x51: {  	_ =	shalt  }
0x52: {  	_ =	shalt  }
0x53: {  	_ =	shalt  }
0x54: {  	_ =	shalt  }
0x55: {  	_ =	shalt  }
0x56: {  	_ =	shalt  }
0x57: {  	_ =	shalt  }
0x58: {  	_ =	shalt  }
0x59: {  	_ =	shalt  }
0x5a: {  	_ =	shalt  }
0x5b: {  	_ =	shalt  }
0x5c: {  	_ =	shalt  }
0x5d: {  	_ =	shalt  }
0x5e: {  	_ =	shalt  }
0x5f: {  	_ =	shalt  }
0x60: {  	_ =	shalt  }
0x61: {  	_ =	shalt  }
0x62: {  	_ =	shalt  }
0x63: {  	_ =	shalt  }
0x64: {  	_ =	shalt  }
0x65: {  	_ =	shalt  }
0x66: {  	_ =	shalt  }
0x67: {  	_ =	shalt  }
0x68: {  	_ =	shalt  }
0x69: {  	_ =	shalt  }
0x6a: {  	_ =	shalt  }
0x6b: {  	_ =	shalt  }
0x6c: {  	_ =	shalt  }
0x6d: {  	_ =	shalt  }
0x6e: {  	_ =	shalt  }
0x6f: {  	_ =	shalt  }
0x70: {  	_ =	shalt  }
0x71: {  	_ =	shalt  }
0x72: {  	_ =	shalt  }
0x73: {  	_ =	shalt  }
0x74: {  	_ =	shalt  }
0x75: {  	_ =	shalt  }
0x76: {  	_ =	shalt  }
0x77: {  	_ =	shalt  }
0x78: {  	_ =	shalt  }
0x79: {  	_ =	shalt  }
0x7a: {  	_ =	shalt  }
0x7b: {  	_ =	shalt  }
0x7c: {  	_ =	shalt  }
0x7d: {  	_ =	shalt  }
0x7e: {  	_ =	shalt  }
0x7f: {  	_ =	shalt  }
0x80: {  	_ =	shalt  }
0x81: {  	_ =	shalt  }
0x82: {  	_ =	shalt  }
0x83: {  	_ =	shalt  }
0x84: {  	_ =	shalt  }
0x85: {  	_ =	shalt  }
0x86: {  	_ =	shalt  }
0x87: {  	_ =	shalt  }
.Lfunc_end0:
.L_simem_size_0:
called_computation_lowered:
.L_overlay_start_0:
0x88: {  	s2 =	sld [smem:$0x3FD9]  }
0x89: {  	s3 =	sld [smem:$0x3FFE];
	_ =	sdelay $0x1  }
0x8a: {  	s1 =	srdreg.scid  }
0x8b: {  	s0 =	sand.u32 $0x1, s1  }
0x8c: {  	s17 =	sshll.u32 s0, $0xA;
	s2 =	sadd.s32 s3, s2  }
0x8d: {  	s2 =	sadd.s32 s2, s17  }
0x8e: {  	[smem:$0x3FC6] =	sst s2  }
0x8f: {  	_ = 	snop  }
0x90: {  	s2 =	sld [smem:$0x3FC8]  }
0x91: {  	s18 =	sld [smem:$0x3FD0];
	(tm) =	ssettm $0x1  }
0x92: {  	s4 =	sld [smem:$0x3FFB];
	_ =	sdelay $0x3  }
0x93: {  	_ =	strace s4  }
0x94: {  	s4 =	sld [smem:$0x3FFC];
	_ =	sdelay $0x3  }
0x95: {  	_ =	strace s4  }
0x96: {  	s4 =	sld [smem:$0x3FFD];
	_ =	sdelay $0x3  }
0x97: {  	_ =	strace s4  }
0x98: {  	_ =	strace $0x8FFFFFFF  }
0x99: {  	s19 =	sld [smem:$0x3FDB];
	_ =	sdelay $0x1  }
0x9a: {  	s5 =	simm.s32 $_scs_section_size  }
0x9b: {  	s6 =	simm.s32 $_size__tile_overlayer_lowered;
	s7 =	simm.s32 $_tile_overlayer_lowered  }
0x9c: {  	s22 =	simm.s32 $0x1BFF;
	s21 =	sshll.u32 s7, $0x1;
	s4 =	sadd.s32 s5, s19  }
0x9d: {  	s8 =	simm.s32 $0x0;
	s20 =	sshll.u32 s6, $0x1;
	s6 =	sadd.s32 s21, s4  }
0x9e: {  	[timem:s8], [sflag:s22] =	dma.local [hbm:s6], s20  }
0x9f: {  	_ =	swait.ge [sflag:s22], s20  }
0xa0: {  	s5 =	ssub.s32 $0x0, s20;
	[sflag:s22] =	ssyncset.done $0x0  }
0xa1: {  	[sflag:s22] =	ssyncadd.s32 s5;
	_ =	sdelay $0x1  }
0xa2: {  	s23 =	simm.s32 $0x1B8B  }
0xa3: {  	_ =	swait.ge [sflag:s23], $0x1  }
0xa4: {  	[sflag:s23] =	ssyncset.done $0x0  }
0xa5: {  	s25 =	simm.s32 $0x1B8E;
	s24 =	sld [smem:$0x3FFE];
	[sflag:s23] =	ssyncadd.s32 $0xFFFFFFFF  }
0xa6: {  	s26 =	simm.s32 $execute0_lowered;
	[smem:$0x3FD2] =	sst s25  }
0xa7: {  	s6 =	sshll.u32 s26, $0x1;
	_ =	strace $0x80000046;
	[dreg:$0x1] =	wrdreg $0xFFFFFFFF  }
0xa8: {  	s28 =	simm.s32 $_size_execute0_lowered;
	s4 =	sadd.s32 s4, s6;
	[dreg:$0x0] =	wrdreg $0x0  }
0xa9: {  	s6 =	sshll.u32 s28, $0x1;
	[dreg:$0x2] =	wrdreg s4  }
0xaa: {  	[dreg:$0x3] =	wrdreg s6  }
0xab: {  	[dreg:$0x4] =	wrdreg $0xC0  }
0xac: {  	_ =	task [dreg:s8], $0x5FFFF  }
0xad: {  	[dreg:$0x1] =	wrdreg $0xFFFFFFFF  }
0xae: {  	[dreg:$0x0] =	wrdreg $0x60  }
0xaf: {  	[dreg:$0x2] =	wrdreg s2  }
0xb0: {  	[dreg:$0x3] =	wrdreg s24  }
0xb1: {  	[dreg:$0x4] =	wrdreg s18  }
0xb2: {  	[dreg:$0x5] =	wrdreg $0x9  }
0xb3: {  	_ =	task.clear_ibuf [dreg:s8], $0x6FFFF;
	_ =	strace $0x90000046  }
0xb4: {  	s29 =	simm.s32 $0x9;
	_ =	strace $0x80000048  }
0xb5: {  	_ =	swait.ge [sflag:s29], $0x1  }
0xb6: {  	[sflag:s29] =	ssyncadd.s32 $0xFFFFFFFF  }
0xb7: {  	_ =	strace $0x90000048  }
0xb8: {  	_ =	sfence  }
0xb9: {  	s30 =	sld [smem:$0x0];
	_ =	sdelay $0x2  }
0xba: {  	s31 =	sshll.u32 s1, $0xD;
	s1 =	sshrl.u32 s1, $0x2  }
0xbb: {  	s3 =	sand.u32 $0x4000, s31;
	s1 =	sadd.s32 s1, s30  }
0xbc: {  	s0 =	sor.u32 s3, s0;
	s1 =	sshll.u32 s1, $0x11  }
0xbd: {  	s0 =	sor.u32 s1, s0  }
0xbe: {  	s0 =	sadd.s32 $0x8F2B, s0  }
0xbf: {  	[sflag:s0] =	ssyncadd.remote.s32 $0x1  }
0xc0: {  	_ =	sfence.sel $0xFFFF  }
0xc1: {  	[dreg:$0x0] =	wrdreg $0xFFFFFFFF;
	(pc) =	sbr.abs _section_cstart, $3  }
0xc2: {  	[dreg:$0x1] =	wrdreg $0xFFFFFFFF  }
0xc3: {  	_ =	task.clear_ibuf [dreg:s8], $0x2FFFF;
	_ =	strace $0x9FFFFFFF  }
0xc4: {  	(tm) =	ssettm $0x7FFFFFFF  }
0xc5: {  	_ =	shalt  }
tec
execute0_lowered:
.L_overlay_start_1:
0x0: {  	(tag) =	ssettag $0x1  }
0x1: {  	s1 =	rddreg [dreg:$0x0]  }
0x2: {  	s0 =	srdreg.scid;
	s2 =	rddreg [dreg:$0x1]  }
0x3: {  	s8 =	stileid.u32;
	s4 =	rddreg [dreg:$0x2];
	s3 =	simm.s32 $0x0  }
0x4: {  	s30 =	simm.s32 $0x2800;
	s31 =	simm.s32 $0x3000;
	s28 =	simm.s32 $0x3800  }
0x5: {  	s29 =	simm.s32 $0x6000;
	s9 =	simm.s32 $0x6800;
	s10 =	simm.s32 $0x7000  }
0x6: {  	s11 =	simm.s32 $0x7800;
	s13 =	simm.s32 $0x8000;
	s14 =	simm.s32 $0x8800  }
0x7: {  	s15 =	simm.s32 $0x9000;
	s16 =	simm.s32 $0x9800;
	s12 =	simm.s32 $0xA800  }
0x8: {  	s17 =	simm.s32 $0x1;
	s18 =	simm.s32 $0x2;
	s19 =	simm.s32 $0x3  }
0x9: {  	s0 =	sand.u32 $0x1, s0;
	s5 =	sshll.u32 s8, $0xE;
	[smem:$0x7FF] =	sst s3  }
0xa: {  	s22 =	sshll.u32 s8, $0x14;
	s8 =	simm.s32 $0xE000;
	s6 =	sshll.u32 s0, $0xD  }
0xb: {  	s7 =	ssub.s32 $0x2, s0;
	_ =	strace $0x80000047;
	s5 =	sor.u32 s6, s5  }
0xc: {  	s0 =	sshll.u32 s0, $0x13;
	s20 =	sshrl.u32 s7, $0x1;
	s6 =	sshrl.u32 s5, $0x3  }
0xd: {  	s21 =	sshll.u32 s5, $0x6;
	s5 =	sadd.s32 $0x100, s1;
	s2 =	sadd.s32 s6, s2  }
0xe: {  	s6 =	ssub.s32 s7, s20;
	s20 =	simm.s32 $0x2000;
	s2 =	sadd.s32 $0x400, s2  }
0xf: {  	s7 =	simm.s32 $0x5800;
	s26 =	smax.u32 s6, $0x1;
	[dreg:$0x5] =	wrdreg s2  }
0x10: {  	s2 =	sadd.s32 s21, s4;
	[dreg:$0xa] =	wrdreg s26;
	s26 =	simm.s32 $0x0  }
0x11: {  	s6 =	simm.s32 $0x5000;
	s23 =	sadd.s32 $0x7E000, s2;
	[dreg:$0xb] =	wrdreg s26  }
0x12: {  	s4 =	sadd.s32 s22, s4;
	s24 =	sadd.s32 $0x7E800, s2;
	[dreg:$0x6] =	wrdreg s23  }
0x13: {  	s21 =	simm.s32 $0x4;
	s25 =	sadd.s32 $0x7F000, s2;
	[dreg:$0x7] =	wrdreg s24  }
0x14: {  	s22 =	simm.s32 $0x5;
	s2 =	sadd.s32 $0x7F800, s2;
	[dreg:$0x8] =	wrdreg s25  }
0x15: {  	v2 =	vlaneseq.u32;
	s0 =	sadd.s32 s0, s4;
	s4 =	simm.s32 $0x4800;
	[dreg:$0x9] =	wrdreg s2  }
0x16: {  	vm0 =	vmmov $0xffff;
	v1 =	vshrl.u32 v2, $0x3;
	[dreg:$0x4] =	wrdreg s0;
	s0 =	simm.s32 $0x4000;
	s2 =	simm.s32 $0xA000  }
0x17: {  	v0 =	vand.u32 $0x7, v2;
	v2 =	vor.u32 $0x8, v2;
	v1 =	vmul.u32 $0x8, v1;
	s23 =	simm.s32 $0x6;
	s24 =	simm.s32 $0x7;
	s25 =	simm.s32 $0x8  }
.LBB2_1:
0x18: {  	s26 =	rddreg [dreg:$0x5]  }
0x19: {  	[tilespmem:s3], [sflag:$0x9] =	stream.linear.gather [hbm4b:s26+s3], $0x2000, $0x38;
	[tilespmem:$0x12000] =	vst v63  }
0x1a: {  	s26 =	simm.s32 $0x9  }
0x1b: {  	_ =	swait.ge [sflag:s26], $0x2000  }
0x1c: {  	[sflag:s26] =	ssyncset.done $0x0  }
0x1d: {  	[sflag:s26] =	ssyncadd.s32 $0xFFFFE000  }
0x1e: {  	v3 =	vld [tilespmem:$0x0];
	_ =	sdelay $0x4  }
0x1f: {  	v4 =	vshll.u32 v3, $0x2  }
0x20: {  	v3 =	vand.u32 $0x7, v3;
	v4 =	vand.u32 $0xFFFFFFE0, v4  }
0x21: {  	v3 =	vor.u32 v3, v4  }
0x22: {  	v4 =	vperm.xlane v3, v0;
	_ =	sdelay $0x1  }
0x23: {  	v4 =	vadd.s32 v1, v4;
	_ =	sdelay $0x1  }
0x24: {  	v3 =	vperm.xlane v3, v2;
	_ =	sdelay $0x1  }
0x25: {  	v3 =	vadd.s32 v1, v3  }
0x26: {  	[tilespmem:s20], [sflag:$0x1] =	stream.indirect_vreg.gather [hbm4b:s1+s3], $0x80, v4, vm0, $0xb8;
	[tilespmem:$0x12000] =	vst v63  }
0x27: {  	_ = 	snop  }
0x28: {  	[tilespmem:s30], [sflag:$0x1] =	stream.indirect_vreg.gather [hbm4b:s5+s3], $0x80, v4, vm0, $0xb8;
	[tilespmem:$0x12000] =	vst v63  }
0x29: {  	_ = 	snop  }
0x2a: {  	[tilespmem:s31], [sflag:$0x1] =	stream.indirect_vreg.gather [hbm4b:s1+s3], $0x80, v3, vm0, $0xb8;
	[tilespmem:$0x12000] =	vst v63  }
0x2b: {  	_ = 	snop  }
0x2c: {  	[tilespmem:s28], [sflag:$0x1] =	stream.indirect_vreg.gather [hbm4b:s5+s3], $0x80, v3, vm0, $0xb8;
	[tilespmem:$0x12000] =	vst v63  }
0x2d: {  	v3 =	vld [tilespmem:$0x10];
	_ =	sdelay $0x4  }
0x2e: {  	v57 =	vshll.u32 v3, $0x2  }
0x2f: {  	v3 =	vand.u32 $0x7, v3;
	v4 =	vand.u32 $0xFFFFFFE0, v57  }
0x30: {  	v3 =	vor.u32 v3, v4  }
0x31: {  	v4 =	vperm.xlane v3, v0;
	_ =	sdelay $0x1  }
0x32: {  	v4 =	vadd.s32 v1, v4;
	_ =	sdelay $0x1  }
0x33: {  	v3 =	vperm.xlane v3, v2;
	_ =	sdelay $0x1  }
0x34: {  	v3 =	vadd.s32 v1, v3  }
0x35: {  	[tilespmem:s0], [sflag:$0x1] =	stream.indirect_vreg.gather [hbm4b:s1+s3], $0x80, v4, vm0, $0xb8;
	[tilespmem:$0x12000] =	vst v63  }
0x36: {  	_ = 	snop  }
0x37: {  	[tilespmem:s4], [sflag:$0x1] =	stream.indirect_vreg.gather [hbm4b:s5+s3], $0x80, v4, vm0, $0xb8;
	[tilespmem:$0x12000] =	vst v63  }
0x38: {  	_ = 	snop  }
0x39: {  	[tilespmem:s6], [sflag:$0x1] =	stream.indirect_vreg.gather [hbm4b:s1+s3], $0x80, v3, vm0, $0xb8;
	[tilespmem:$0x12000] =	vst v63  }
0x3a: {  	_ = 	snop  }
0x3b: {  	[tilespmem:s7], [sflag:$0x1] =	stream.indirect_vreg.gather [hbm4b:s5+s3], $0x80, v3, vm0, $0xb8;
	[tilespmem:$0x12000] =	vst v63  }
0x3c: {  	v3 =	vld [tilespmem:$0x20];
	_ =	sdelay $0x4  }
0x3d: {  	v58 =	vshll.u32 v3, $0x2  }
0x3e: {  	v3 =	vand.u32 $0x7, v3;
	v4 =	vand.u32 $0xFFFFFFE0, v58  }
0x3f: {  	v3 =	vor.u32 v3, v4  }
0x40: {  	v4 =	vperm.xlane v3, v0;
	_ =	sdelay $0x1  }
0x41: {  	v4 =	vadd.s32 v1, v4;
	_ =	sdelay $0x1  }
0x42: {  	v3 =	vperm.xlane v3, v2;
	_ =	sdelay $0x1  }
0x43: {  	v3 =	vadd.s32 v1, v3  }
0x44: {  	[tilespmem:s29], [sflag:$0x2] =	stream.indirect_vreg.gather [hbm4b:s1+s3], $0x80, v4, vm0, $0xb8;
	[tilespmem:$0x12000] =	vst v63  }
0x45: {  	_ = 	snop  }
0x46: {  	[tilespmem:s9], [sflag:$0x2] =	stream.indirect_vreg.gather [hbm4b:s5+s3], $0x80, v4, vm0, $0xb8;
	[tilespmem:$0x12000] =	vst v63  }
0x47: {  	_ = 	snop  }
0x48: {  	[tilespmem:s10], [sflag:$0x2] =	stream.indirect_vreg.gather [hbm4b:s1+s3], $0x80, v3, vm0, $0xb8;
	[tilespmem:$0x12000] =	vst v63  }
0x49: {  	_ = 	snop  }
0x4a: {  	[tilespmem:s11], [sflag:$0x2] =	stream.indirect_vreg.gather [hbm4b:s5+s3], $0x80, v3, vm0, $0xb8;
	[tilespmem:$0x12000] =	vst v63  }
0x4b: {  	v3 =	vld [tilespmem:$0x30];
	_ =	sdelay $0x4  }
0x4c: {  	v59 =	vshll.u32 v3, $0x2  }
0x4d: {  	v3 =	vand.u32 $0x7, v3;
	v4 =	vand.u32 $0xFFFFFFE0, v59  }
0x4e: {  	v3 =	vor.u32 v3, v4  }
0x4f: {  	v4 =	vperm.xlane v3, v0;
	_ =	sdelay $0x1  }
0x50: {  	v4 =	vadd.s32 v1, v4;
	_ =	sdelay $0x1  }
0x51: {  	v3 =	vperm.xlane v3, v2;
	_ =	sdelay $0x1  }
0x52: {  	v3 =	vadd.s32 v1, v3  }
0x53: {  	[tilespmem:s13], [sflag:$0x2] =	stream.indirect_vreg.gather [hbm4b:s1+s3], $0x80, v4, vm0, $0xb8;
	[tilespmem:$0x12000] =	vst v63  }
0x54: {  	_ = 	snop  }
0x55: {  	[tilespmem:s14], [sflag:$0x2] =	stream.indirect_vreg.gather [hbm4b:s5+s3], $0x80, v4, vm0, $0xb8;
	[tilespmem:$0x12000] =	vst v63  }
0x56: {  	_ = 	snop  }
0x57: {  	[tilespmem:s15], [sflag:$0x2] =	stream.indirect_vreg.gather [hbm4b:s1+s3], $0x80, v3, vm0, $0xb8;
	[tilespmem:$0x12000] =	vst v63  }
0x58: {  	_ = 	snop  }
0x59: {  	[tilespmem:s16], [sflag:$0x2] =	stream.indirect_vreg.gather [hbm4b:s5+s3], $0x80, v3, vm0, $0xb8;
	[tilespmem:$0x12000] =	vst v63  }
0x5a: {  	v3 =	vld [tilespmem:$0x40];
	_ =	sdelay $0x4  }
0x5b: {  	v60 =	vshll.u32 v3, $0x2  }
0x5c: {  	v3 =	vand.u32 $0x7, v3;
	v4 =	vand.u32 $0xFFFFFFE0, v60  }
0x5d: {  	v3 =	vor.u32 v3, v4  }
0x5e: {  	v4 =	vperm.xlane v3, v0;
	_ =	sdelay $0x1  }
0x5f: {  	v4 =	vadd.s32 v1, v4;
	_ =	sdelay $0x1  }
0x60: {  	v3 =	vperm.xlane v3, v2;
	_ =	sdelay $0x1  }
0x61: {  	v3 =	vadd.s32 v1, v3  }
0x62: {  	[tilespmem:s2], [sflag:$0x3] =	stream.indirect_vreg.gather [hbm4b:s1+s3], $0x80, v4, vm0, $0xb8;
	[tilespmem:$0x12000] =	vst v63  }
0x63: {  	_ = 	snop  }
0x64: {  	[tilespmem:s12], [sflag:$0x3] =	stream.indirect_vreg.gather [hbm4b:s5+s3], $0x80, v4, vm0, $0xb8;
	[tilespmem:$0x12000] =	vst v63  }
0x65: {  	s11 =	simm.s32 $0xB000  }
0x66: {  	[tilespmem:s11], [sflag:$0x3] =	stream.indirect_vreg.gather [hbm4b:s1+s3], $0x80, v3, vm0, $0xb8;
	[tilespmem:$0x12000] =	vst v63  }
0x67: {  	s12 =	simm.s32 $0xB800  }
0x68: {  	[tilespmem:s12], [sflag:$0x3] =	stream.indirect_vreg.gather [hbm4b:s5+s3], $0x80, v3, vm0, $0xb8;
	[tilespmem:$0x12000] =	vst v63  }
0x69: {  	v3 =	vld [tilespmem:$0x50];
	_ =	sdelay $0x4  }
0x6a: {  	v61 =	vshll.u32 v3, $0x2  }
0x6b: {  	v3 =	vand.u32 $0x7, v3;
	v4 =	vand.u32 $0xFFFFFFE0, v61  }
0x6c: {  	v3 =	vor.u32 v3, v4  }
0x6d: {  	v4 =	vperm.xlane v3, v0;
	_ =	sdelay $0x1  }
0x6e: {  	v4 =	vadd.s32 v1, v4;
	_ =	sdelay $0x1  }
0x6f: {  	v3 =	vperm.xlane v3, v2;
	_ =	sdelay $0x1  }
0x70: {  	s13 =	simm.s32 $0xC000;
	v3 =	vadd.s32 v1, v3  }
0x71: {  	[tilespmem:s13], [sflag:$0x3] =	stream.indirect_vreg.gather [hbm4b:s1+s3], $0x80, v4, vm0, $0xb8;
	[tilespmem:$0x12000] =	vst v63  }
0x72: {  	s14 =	simm.s32 $0xC800  }
0x73: {  	[tilespmem:s14], [sflag:$0x3] =	stream.indirect_vreg.gather [hbm4b:s5+s3], $0x80, v4, vm0, $0xb8;
	[tilespmem:$0x12000] =	vst v63  }
0x74: {  	s15 =	simm.s32 $0xD000  }
0x75: {  	[tilespmem:s15], [sflag:$0x3] =	stream.indirect_vreg.gather [hbm4b:s1+s3], $0x80, v3, vm0, $0xb8;
	[tilespmem:$0x12000] =	vst v63  }
0x76: {  	s16 =	simm.s32 $0xD800  }
0x77: {  	[tilespmem:s16], [sflag:$0x3] =	stream.indirect_vreg.gather [hbm4b:s5+s3], $0x80, v3, vm0, $0xb8;
	[tilespmem:$0x12000] =	vst v63  }
0x78: {  	v3 =	vld [tilespmem:$0x60];
	_ =	sdelay $0x4  }
0x79: {  	v62 =	vshll.u32 v3, $0x2  }
0x7a: {  	v3 =	vand.u32 $0x7, v3;
	v4 =	vand.u32 $0xFFFFFFE0, v62  }
0x7b: {  	v3 =	vor.u32 v3, v4  }
0x7c: {  	v4 =	vperm.xlane v3, v0;
	_ =	sdelay $0x1  }
0x7d: {  	v4 =	vadd.s32 v1, v4;
	_ =	sdelay $0x1  }
0x7e: {  	v3 =	vperm.xlane v3, v2;
	_ =	sdelay $0x1  }
0x7f: {  	v3 =	vadd.s32 v1, v3  }
0x80: {  	[tilespmem:s8], [sflag:$0x4] =	stream.indirect_vreg.gather [hbm4b:s1+s3], $0x80, v4, vm0, $0xb8;
	[tilespmem:$0x12000] =	vst v63  }
0x81: {  	s20 =	simm.s32 $0xE800  }
0x82: {  	[tilespmem:s20], [sflag:$0x4] =	stream.indirect_vreg.gather [hbm4b:s5+s3], $0x80, v4, vm0, $0xb8;
	[tilespmem:$0x12000] =	vst v63  }
0x83: {  	s26 =	simm.s32 $0xF000  }
0x84: {  	[tilespmem:s26], [sflag:$0x4] =	stream.indirect_vreg.gather [hbm4b:s1+s3], $0x80, v3, vm0, $0xb8;
	[tilespmem:$0x12000] =	vst v63  }
0x85: {  	s29 =	simm.s32 $0xF800  }
0x86: {  	[tilespmem:s29], [sflag:$0x4] =	stream.indirect_vreg.gather [hbm4b:s5+s3], $0x80, v3, vm0, $0xb8;
	[tilespmem:$0x12000] =	vst v63  }
0x87: {  	v3 =	vld [tilespmem:$0x70];
	_ =	sdelay $0x4  }
0x88: {  	v63 =	vshll.u32 v3, $0x2  }
0x89: {  	v3 =	vand.u32 $0x7, v3;
	v4 =	vand.u32 $0xFFFFFFE0, v63  }
0x8a: {  	v3 =	vor.u32 v3, v4  }
0x8b: {  	v4 =	vperm.xlane v3, v0;
	_ =	sdelay $0x1  }
0x8c: {  	v4 =	vadd.s32 v1, v4;
	_ =	sdelay $0x1  }
0x8d: {  	v3 =	vperm.xlane v3, v2  }
0x8e: {  	s30 =	simm.s32 $0x10000;
	s31 =	simm.s32 $0x10800;
	s28 =	simm.s32 $0x0  }
0x8f: {  	s4 =	simm.s32 $0x11800;
	s6 =	simm.s32 $0x11000;
	s7 =	simm.s32 $0x5800;
	v3 =	vadd.s32 v1, v3  }
0x90: {  	[tilespmem:s30], [sflag:$0x4] =	stream.indirect_vreg.gather [hbm4b:s1+s3], $0x80, v4, vm0, $0xb8;
	[tilespmem:$0x12000] =	vst v63  }
0x91: {  	s9 =	simm.s32 $0x6800;
	s10 =	simm.s32 $0x7000;
	s11 =	simm.s32 $0x7800  }
0x92: {  	[tilespmem:s31], [sflag:$0x4] =	stream.indirect_vreg.gather [hbm4b:s5+s3], $0x80, v4, vm0, $0xb8;
	[tilespmem:$0x12000] =	vst v63  }
0x93: {  	s12 =	simm.s32 $0xA800;
	s13 =	simm.s32 $0x8000;
	s14 =	simm.s32 $0x8800  }
0x94: {  	[tilespmem:s6], [sflag:$0x4] =	stream.indirect_vreg.gather [hbm4b:s1+s3], $0x80, v3, vm0, $0xb8;
	[tilespmem:$0x12000] =	vst v63  }
0x95: {  	s15 =	simm.s32 $0x9000;
	s16 =	simm.s32 $0x9800;
	s26 =	simm.s32 $0xF0  }
0x96: {  	[tilespmem:s4], [sflag:$0x4] =	stream.indirect_vreg.gather [hbm4b:s5+s3], $0x80, v3, vm0, $0xb8;
	[tilespmem:$0x12000] =	vst v63  }
.LBB2_2:
0x97: {  	_ =	swait.ge [sflag:s17], $0x4000  }
0x98: {  	s30 =	rddreg [dreg:$0x4];
	[sflag:s17] =	ssyncset.done $0x0  }
0x99: {  	s29 =	simm.s32 $0x2000;
	[sflag:s17] =	ssyncadd.s32 $0xFFFFC000;
	s30 =	sadd.s32 s28, s30  }
0x9a: {  	[hbm4b:s30+s3] =	stream.linear.scatter [tilespmem:s29], [sflag:$0x5], $0x4000, $0x38;
	[tilespmem:$0x12000] =	vst v63  }
0x9b: {  	_ =	swait.ge [sflag:s18], $0x4000  }
0x9c: {  	[sflag:s18] =	ssyncset.done $0x0  }
0x9d: {  	s2 =	simm.s32 $0x6000;
	s31 =	sadd.s32 $0x800, s30;
	[sflag:s18] =	ssyncadd.s32 $0xFFFFC000  }
0x9e: {  	[hbm4b:s31+s3] =	stream.linear.scatter [tilespmem:s2], [sflag:$0x6], $0x4000, $0x38;
	[tilespmem:$0x12000] =	vst v63  }
0x9f: {  	_ =	swait.ge [sflag:s19], $0x4000  }
0xa0: {  	[sflag:s19] =	ssyncset.done $0x0  }
0xa1: {  	s0 =	simm.s32 $0xA000;
	s31 =	sadd.s32 $0x1000, s30;
	[sflag:s19] =	ssyncadd.s32 $0xFFFFC000  }
0xa2: {  	[hbm4b:s31+s3] =	stream.linear.scatter [tilespmem:s0], [sflag:$0x7], $0x4000, $0x38;
	[tilespmem:$0x12000] =	vst v63  }
0xa3: {  	_ =	swait.ge [sflag:s21], $0x4000  }
0xa4: {  	[sflag:s21] =	ssyncset.done $0x0  }
0xa5: {  	s30 =	sadd.s32 $0x1800, s30;
	[sflag:s21] =	ssyncadd.s32 $0xFFFFC000  }
0xa6: {  	[hbm4b:s30+s3] =	stream.linear.scatter [tilespmem:s8], [sflag:$0x8], $0x4000, $0x38;
	[tilespmem:$0x12000] =	vst v63  }
0xa7: {  	_ =	swait.ge [sflag:s22], $0x4000  }
0xa8: {  	[sflag:s22] =	ssyncset.done $0x0  }
0xa9: {  	[sflag:s22] =	ssyncadd.s32 $0xFFFFC000  }
0xaa: {  	v3 =	vld [tilespmem:s26+$0xFFFFFF90];
	_ =	sdelay $0x4  }
0xab: {  	v4 =	vshll.u32 v3, $0x2  }
0xac: {  	v3 =	vand.u32 $0x7, v3;
	v4 =	vand.u32 $0xFFFFFFE0, v4  }
0xad: {  	v3 =	vor.u32 v3, v4  }
0xae: {  	v4 =	vperm.xlane v3, v0;
	_ =	sdelay $0x1  }
0xaf: {  	v4 =	vadd.s32 v1, v4;
	_ =	sdelay $0x1  }
0xb0: {  	v3 =	vperm.xlane v3, v2;
	_ =	sdelay $0x1  }
0xb1: {  	v3 =	vadd.s32 v1, v3  }
0xb2: {  	[tilespmem:s29], [sflag:$0x1] =	stream.indirect_vreg.gather [hbm4b:s1+s3], $0x80, v4, vm0, $0xb8;
	[tilespmem:$0x12000] =	vst v63  }
0xb3: {  	s30 =	simm.s32 $0x2800  }
0xb4: {  	[tilespmem:s30], [sflag:$0x1] =	stream.indirect_vreg.gather [hbm4b:s5+s3], $0x80, v4, vm0, $0xb8;
	[tilespmem:$0x12000] =	vst v63  }
0xb5: {  	s31 =	simm.s32 $0x3000  }
0xb6: {  	[tilespmem:s31], [sflag:$0x1] =	stream.indirect_vreg.gather [hbm4b:s1+s3], $0x80, v3, vm0, $0xb8;
	[tilespmem:$0x12000] =	vst v63  }
0xb7: {  	s29 =	simm.s32 $0x3800  }
0xb8: {  	[tilespmem:s29], [sflag:$0x1] =	stream.indirect_vreg.gather [hbm4b:s5+s3], $0x80, v3, vm0, $0xb8;
	[tilespmem:$0x12000] =	vst v63  }
0xb9: {  	v3 =	vld [tilespmem:s26+$0xFFFFFFA0];
	_ =	sdelay $0x4  }
0xba: {  	v57 =	vshll.u32 v3, $0x2  }
0xbb: {  	v3 =	vand.u32 $0x7, v3;
	v4 =	vand.u32 $0xFFFFFFE0, v57  }
0xbc: {  	v3 =	vor.u32 v3, v4  }
0xbd: {  	v4 =	vperm.xlane v3, v0;
	_ =	sdelay $0x1  }
0xbe: {  	v4 =	vadd.s32 v1, v4;
	_ =	sdelay $0x1  }
0xbf: {  	v3 =	vperm.xlane v3, v2;
	_ =	sdelay $0x1  }
0xc0: {  	s29 =	simm.s32 $0x4000;
	v3 =	vadd.s32 v1, v3  }
0xc1: {  	[tilespmem:s29], [sflag:$0x1] =	stream.indirect_vreg.gather [hbm4b:s1+s3], $0x80, v4, vm0, $0xb8;
	[tilespmem:$0x12000] =	vst v63  }
0xc2: {  	s29 =	simm.s32 $0x4800  }
0xc3: {  	[tilespmem:s29], [sflag:$0x1] =	stream.indirect_vreg.gather [hbm4b:s5+s3], $0x80, v4, vm0, $0xb8;
	[tilespmem:$0x12000] =	vst v63  }
0xc4: {  	s29 =	simm.s32 $0x5000  }
0xc5: {  	[tilespmem:s29], [sflag:$0x1] =	stream.indirect_vreg.gather [hbm4b:s1+s3], $0x80, v3, vm0, $0xb8;
	[tilespmem:$0x12000] =	vst v63  }
0xc6: {  	_ = 	snop  }
0xc7: {  	[tilespmem:s7], [sflag:$0x1] =	stream.indirect_vreg.gather [hbm4b:s5+s3], $0x80, v3, vm0, $0xb8;
	[tilespmem:$0x12000] =	vst v63  }
0xc8: {  	_ =	swait.ge [sflag:s23], $0x4000  }
0xc9: {  	[sflag:s23] =	ssyncset.done $0x0  }
0xca: {  	[sflag:s23] =	ssyncadd.s32 $0xFFFFC000  }
0xcb: {  	v3 =	vld [tilespmem:s26+$0xFFFFFFB0];
	_ =	sdelay $0x4  }
0xcc: {  	v58 =	vshll.u32 v3, $0x2  }
0xcd: {  	v3 =	vand.u32 $0x7, v3;
	v4 =	vand.u32 $0xFFFFFFE0, v58  }
0xce: {  	v3 =	vor.u32 v3, v4  }
0xcf: {  	v4 =	vperm.xlane v3, v0;
	_ =	sdelay $0x1  }
0xd0: {  	v4 =	vadd.s32 v1, v4;
	_ =	sdelay $0x1  }
0xd1: {  	v3 =	vperm.xlane v3, v2;
	_ =	sdelay $0x1  }
0xd2: {  	v3 =	vadd.s32 v1, v3  }
0xd3: {  	[tilespmem:s2], [sflag:$0x2] =	stream.indirect_vreg.gather [hbm4b:s1+s3], $0x80, v4, vm0, $0xb8;
	[tilespmem:$0x12000] =	vst v63  }
0xd4: {  	_ = 	snop  }
0xd5: {  	[tilespmem:s9], [sflag:$0x2] =	stream.indirect_vreg.gather [hbm4b:s5+s3], $0x80, v4, vm0, $0xb8;
	[tilespmem:$0x12000] =	vst v63  }
0xd6: {  	_ = 	snop  }
0xd7: {  	[tilespmem:s10], [sflag:$0x2] =	stream.indirect_vreg.gather [hbm4b:s1+s3], $0x80, v3, vm0, $0xb8;
	[tilespmem:$0x12000] =	vst v63  }
0xd8: {  	_ = 	snop  }
0xd9: {  	[tilespmem:s11], [sflag:$0x2] =	stream.indirect_vreg.gather [hbm4b:s5+s3], $0x80, v3, vm0, $0xb8;
	[tilespmem:$0x12000] =	vst v63  }
0xda: {  	v3 =	vld [tilespmem:s26+$0xFFFFFFC0];
	_ =	sdelay $0x4  }
0xdb: {  	v59 =	vshll.u32 v3, $0x2  }
0xdc: {  	v3 =	vand.u32 $0x7, v3;
	v4 =	vand.u32 $0xFFFFFFE0, v59  }
0xdd: {  	v3 =	vor.u32 v3, v4  }
0xde: {  	v4 =	vperm.xlane v3, v0;
	_ =	sdelay $0x1  }
0xdf: {  	v4 =	vadd.s32 v1, v4;
	_ =	sdelay $0x1  }
0xe0: {  	v3 =	vperm.xlane v3, v2;
	_ =	sdelay $0x1  }
0xe1: {  	v3 =	vadd.s32 v1, v3  }
0xe2: {  	[tilespmem:s13], [sflag:$0x2] =	stream.indirect_vreg.gather [hbm4b:s1+s3], $0x80, v4, vm0, $0xb8;
	[tilespmem:$0x12000] =	vst v63  }
0xe3: {  	_ = 	snop  }
0xe4: {  	[tilespmem:s14], [sflag:$0x2] =	stream.indirect_vreg.gather [hbm4b:s5+s3], $0x80, v4, vm0, $0xb8;
	[tilespmem:$0x12000] =	vst v63  }
0xe5: {  	_ = 	snop  }
0xe6: {  	[tilespmem:s15], [sflag:$0x2] =	stream.indirect_vreg.gather [hbm4b:s1+s3], $0x80, v3, vm0, $0xb8;
	[tilespmem:$0x12000] =	vst v63  }
0xe7: {  	_ = 	snop  }
0xe8: {  	[tilespmem:s16], [sflag:$0x2] =	stream.indirect_vreg.gather [hbm4b:s5+s3], $0x80, v3, vm0, $0xb8;
	[tilespmem:$0x12000] =	vst v63  }
0xe9: {  	_ =	swait.ge [sflag:s24], $0x4000  }
0xea: {  	[sflag:s24] =	ssyncset.done $0x0  }
0xeb: {  	[sflag:s24] =	ssyncadd.s32 $0xFFFFC000  }
0xec: {  	v3 =	vld [tilespmem:s26+$0xFFFFFFD0];
	_ =	sdelay $0x4  }
0xed: {  	v60 =	vshll.u32 v3, $0x2  }
0xee: {  	v3 =	vand.u32 $0x7, v3;
	v4 =	vand.u32 $0xFFFFFFE0, v60  }
0xef: {  	v3 =	vor.u32 v3, v4  }
0xf0: {  	v4 =	vperm.xlane v3, v0;
	_ =	sdelay $0x1  }
0xf1: {  	v4 =	vadd.s32 v1, v4;
	_ =	sdelay $0x1  }
0xf2: {  	v3 =	vperm.xlane v3, v2;
	_ =	sdelay $0x1  }
0xf3: {  	v3 =	vadd.s32 v1, v3  }
0xf4: {  	[tilespmem:s0], [sflag:$0x3] =	stream.indirect_vreg.gather [hbm4b:s1+s3], $0x80, v4, vm0, $0xb8;
	[tilespmem:$0x12000] =	vst v63  }
0xf5: {  	_ = 	snop  }
0xf6: {  	[tilespmem:s12], [sflag:$0x3] =	stream.indirect_vreg.gather [hbm4b:s5+s3], $0x80, v4, vm0, $0xb8;
	[tilespmem:$0x12000] =	vst v63  }
0xf7: {  	s0 =	simm.s32 $0xB000  }
0xf8: {  	[tilespmem:s0], [sflag:$0x3] =	stream.indirect_vreg.gather [hbm4b:s1+s3], $0x80, v3, vm0, $0xb8;
	[tilespmem:$0x12000] =	vst v63  }
0xf9: {  	s0 =	simm.s32 $0xB800  }
0xfa: {  	[tilespmem:s0], [sflag:$0x3] =	stream.indirect_vreg.gather [hbm4b:s5+s3], $0x80, v3, vm0, $0xb8;
	[tilespmem:$0x12000] =	vst v63  }
0xfb: {  	v3 =	vld [tilespmem:s26+$0xFFFFFFE0];
	_ =	sdelay $0x4  }
0xfc: {  	v61 =	vshll.u32 v3, $0x2  }
0xfd: {  	v3 =	vand.u32 $0x7, v3;
	v4 =	vand.u32 $0xFFFFFFE0, v61  }
0xfe: {  	v3 =	vor.u32 v3, v4  }
0xff: {  	v4 =	vperm.xlane v3, v0;
	_ =	sdelay $0x1  }
0x100: {  	v4 =	vadd.s32 v1, v4;
	_ =	sdelay $0x1  }
0x101: {  	v3 =	vperm.xlane v3, v2;
	_ =	sdelay $0x1  }
0x102: {  	s0 =	simm.s32 $0xC000;
	v3 =	vadd.s32 v1, v3  }
0x103: {  	[tilespmem:s0], [sflag:$0x3] =	stream.indirect_vreg.gather [hbm4b:s1+s3], $0x80, v4, vm0, $0xb8;
	[tilespmem:$0x12000] =	vst v63  }
0x104: {  	s0 =	simm.s32 $0xC800  }
0x105: {  	[tilespmem:s0], [sflag:$0x3] =	stream.indirect_vreg.gather [hbm4b:s5+s3], $0x80, v4, vm0, $0xb8;
	[tilespmem:$0x12000] =	vst v63  }
0x106: {  	s0 =	simm.s32 $0xD000  }
0x107: {  	[tilespmem:s0], [sflag:$0x3] =	stream.indirect_vreg.gather [hbm4b:s1+s3], $0x80, v3, vm0, $0xb8;
	[tilespmem:$0x12000] =	vst v63  }
0x108: {  	s0 =	simm.s32 $0xD800  }
0x109: {  	[tilespmem:s0], [sflag:$0x3] =	stream.indirect_vreg.gather [hbm4b:s5+s3], $0x80, v3, vm0, $0xb8;
	[tilespmem:$0x12000] =	vst v63  }
0x10a: {  	_ =	swait.ge [sflag:s25], $0x4000  }
0x10b: {  	[sflag:s25] =	ssyncset.done $0x0  }
0x10c: {  	[sflag:s25] =	ssyncadd.s32 $0xFFFFC000  }
0x10d: {  	v3 =	vld [tilespmem:s26+$0xFFFFFFF0];
	_ =	sdelay $0x4  }
0x10e: {  	v62 =	vshll.u32 v3, $0x2  }
0x10f: {  	v3 =	vand.u32 $0x7, v3;
	v4 =	vand.u32 $0xFFFFFFE0, v62  }
0x110: {  	v3 =	vor.u32 v3, v4  }
0x111: {  	v4 =	vperm.xlane v3, v0;
	_ =	sdelay $0x1  }
0x112: {  	v4 =	vadd.s32 v1, v4;
	_ =	sdelay $0x1  }
0x113: {  	v3 =	vperm.xlane v3, v2;
	_ =	sdelay $0x1  }
0x114: {  	v3 =	vadd.s32 v1, v3  }
0x115: {  	[tilespmem:s8], [sflag:$0x4] =	stream.indirect_vreg.gather [hbm4b:s1+s3], $0x80, v4, vm0, $0xb8;
	[tilespmem:$0x12000] =	vst v63  }
0x116: {  	s0 =	simm.s32 $0xE800  }
0x117: {  	[tilespmem:s0], [sflag:$0x4] =	stream.indirect_vreg.gather [hbm4b:s5+s3], $0x80, v4, vm0, $0xb8;
	[tilespmem:$0x12000] =	vst v63  }
0x118: {  	s0 =	simm.s32 $0xF000  }
0x119: {  	[tilespmem:s0], [sflag:$0x4] =	stream.indirect_vreg.gather [hbm4b:s1+s3], $0x80, v3, vm0, $0xb8;
	[tilespmem:$0x12000] =	vst v63  }
0x11a: {  	s0 =	simm.s32 $0xF800  }
0x11b: {  	[tilespmem:s0], [sflag:$0x4] =	stream.indirect_vreg.gather [hbm4b:s5+s3], $0x80, v3, vm0, $0xb8;
	[tilespmem:$0x12000] =	vst v63  }
0x11c: {  	v3 =	vld [tilespmem:s26+$0x0];
	_ =	sdelay $0x4  }
0x11d: {  	v63 =	vshll.u32 v3, $0x2  }
0x11e: {  	v3 =	vand.u32 $0x7, v3;
	v4 =	vand.u32 $0xFFFFFFE0, v63  }
0x11f: {  	v3 =	vor.u32 v3, v4  }
0x120: {  	v4 =	vperm.xlane v3, v0;
	_ =	sdelay $0x1  }
0x121: {  	v4 =	vadd.s32 v1, v4;
	_ =	sdelay $0x2  }
0x122: {  	v3 =	vperm.xlane v3, v2  }
0x123: {  	s0 =	simm.s32 $0x10000  }
0x124: {  	v3 =	vadd.s32 v1, v3;
	[tilespmem:s0], [sflag:$0x4] =	stream.indirect_vreg.gather [hbm4b:s1+s3], $0x80, v4, vm0, $0xb8;
	[tilespmem:$0x12000] =	vst v63  }
0x125: {  	p0 =	sne.s32 s28, $0x7C000;
	s0 =	simm.s32 $0x10800  }
0x126: {  	[tilespmem:s0], [sflag:$0x4] =	stream.indirect_vreg.gather [hbm4b:s5+s3], $0x80, v4, vm0, $0xb8;
	[tilespmem:$0x12000] =	vst v63  }
.Ltmp0:
0x127: {  	_ = 	snop;
	(pc) =	sbr.rel @p0 .LBB2_2-.Ltmp0, $4  }
0x128: {  	s20 =	simm.s32 $0x2000;
	s28 =	sadd.s32 $0x2000, s28  }
0x129: {  	[tilespmem:s6], [sflag:$0x4] =	stream.indirect_vreg.gather [hbm4b:s1+s3], $0x80, v3, vm0, $0xb8;
	[tilespmem:$0x12000] =	vst v63  }
0x12a: {  	s29 =	simm.s32 $0x6000;
	s2 =	simm.s32 $0xA000;
	s26 =	sadd.s32 $0x80, s26  }
0x12b: {  	[tilespmem:s4], [sflag:$0x4] =	stream.indirect_vreg.gather [hbm4b:s5+s3], $0x80, v3, vm0, $0xb8;
	[tilespmem:$0x12000] =	vst v63  }
0x12c: {  	_ =	swait.ge [sflag:s17], $0x4000  }
0x12d: {  	[sflag:s17] =	ssyncset.done $0x0  }
0x12e: {  	s26 =	rddreg [dreg:$0x6];
	[sflag:s17] =	ssyncadd.s32 $0xFFFFC000  }
0x12f: {  	[hbm4b:s26+s3] =	stream.linear.scatter [tilespmem:s20], [sflag:$0x5], $0x4000, $0x38;
	[tilespmem:$0x12000] =	vst v63  }
0x130: {  	_ =	swait.ge [sflag:s18], $0x4000  }
0x131: {  	[sflag:s18] =	ssyncset.done $0x0  }
0x132: {  	s13 =	rddreg [dreg:$0x7];
	[sflag:s18] =	ssyncadd.s32 $0xFFFFC000  }
0x133: {  	[hbm4b:s13+s3] =	stream.linear.scatter [tilespmem:s29], [sflag:$0x6], $0x4000, $0x38;
	[tilespmem:$0x12000] =	vst v63  }
0x134: {  	_ =	swait.ge [sflag:s19], $0x4000  }
0x135: {  	[sflag:s19] =	ssyncset.done $0x0  }
0x136: {  	s14 =	rddreg [dreg:$0x8];
	[sflag:s19] =	ssyncadd.s32 $0xFFFFC000  }
0x137: {  	[hbm4b:s14+s3] =	stream.linear.scatter [tilespmem:s2], [sflag:$0x7], $0x4000, $0x38;
	[tilespmem:$0x12000] =	vst v63  }
0x138: {  	_ =	swait.ge [sflag:s21], $0x4000  }
0x139: {  	[sflag:s21] =	ssyncset.done $0x0  }
0x13a: {  	s15 =	rddreg [dreg:$0x9];
	[sflag:s21] =	ssyncadd.s32 $0xFFFFC000  }
0x13b: {  	[hbm4b:s15+s3] =	stream.linear.scatter [tilespmem:s8], [sflag:$0x8], $0x4000, $0x38;
	[tilespmem:$0x12000] =	vst v63  }
0x13c: {  	_ =	swait.ge [sflag:s22], $0x4000  }
0x13d: {  	[sflag:s22] =	ssyncset.done $0x0  }
0x13e: {  	[sflag:s22] =	ssyncadd.s32 $0xFFFFC000  }
0x13f: {  	_ =	swait.ge [sflag:s23], $0x4000  }
0x140: {  	[sflag:s23] =	ssyncset.done $0x0  }
0x141: {  	[sflag:s23] =	ssyncadd.s32 $0xFFFFC000  }
0x142: {  	_ =	swait.ge [sflag:s24], $0x4000  }
0x143: {  	[sflag:s24] =	ssyncset.done $0x0  }
0x144: {  	[sflag:s24] =	ssyncadd.s32 $0xFFFFC000  }
0x145: {  	_ =	swait.ge [sflag:s25], $0x4000  }
0x146: {  	s0 =	rddreg [dreg:$0xb]  }
0x147: {  	s16 =	rddreg [dreg:$0xa];
	s0 =	sadd.s32 $0x1, s0  }
0x148: {  	s28 =	simm.s32 $0x3800;
	s4 =	simm.s32 $0x4800;
	p0 =	sne.s32 s0, s16  }
.Ltmp1:
0x149: {  	s6 =	simm.s32 $0x5000;
	s7 =	simm.s32 $0x5800;
	(pc) =	sbr.rel @p0 .LBB2_1-.Ltmp1, $4  }
0x14a: {  	s9 =	simm.s32 $0x6800;
	s10 =	simm.s32 $0x7000;
	s11 =	simm.s32 $0x7800  }
0x14b: {  	s12 =	simm.s32 $0xA800;
	s13 =	simm.s32 $0x8000;
	[sflag:s25] =	ssyncset.done $0x0  }
0x14c: {  	s14 =	simm.s32 $0x8800;
	s15 =	simm.s32 $0x9000;
	[sflag:s25] =	ssyncadd.s32 $0xFFFFC000  }
0x14d: {  	[dreg:$0xb] =	wrdreg s0;
	s0 =	simm.s32 $0x4000;
	s16 =	simm.s32 $0x9800  }
0x14e: {  	_ =	sfence.sel $0x180000  }
0x14f: {  	[bflag:$0x0] =	sbarrier.arrive $0xFFFF  }
0x150: {  	_ =	strace $0x90000047  }
0x151: {  	s0 =	stileid.u32;
	[bflag:$0x2] =	sbarrier.arrive $0xFFFF  }
0x152: {  	p0 =	sne.s32 s0, $0x0;
	s0 =	rddreg [dreg:$0x3]  }
0x153: {  	s0 =	sadd.s32 @!p0 $0x100000, s0  }
0x154: {  	[sflag:s0] =	ssyncadd.tile.s32 @!p0 $0x1;
	_ =	shalt  }
.Lfunc_end2:
_tile_overlayer_lowered:
.L_overlay_start_2:
0x155: {  	(tag) =	ssettag $0x2  }
0x156: {  	s0 =	rddreg [dreg:$0x0];
	s2 =	stileid.u32  }
0x157: {  	s1 =	rddreg [dreg:$0x1];
	p0 =	sne.s32 s2, $0x0  }
0x158: {  	s3 =	rddreg [dreg:$0x2];
	[bflag:$0x3] =	sbarrier.arrive $0xFFFF;
	s2 =	simm.s32 @!p0 $0x1C09  }
0x159: {  	[timem:s3], [sflag:s2] =	dma.local @!p0 [hbm:s0], s1  }
0x15a: {  	s0 =	simm.s32 @!p0 $0x9  }
0x15b: {  	_ =	swait.ge @!p0 [sflag:s0], s1  }
0x15c: {  	s1 =	ssub.s32 @!p0 $0x0, s1;
	[sflag:s0] =	ssyncset.done @!p0 $0x0  }
0x15d: {  	[sflag:s0] =	ssyncadd.s32 @!p0 s1  }
0x15e: {  	[bflag:$0x3] =	sbarrier.arrive $0xFFFF  }
0x15f: {  	_ =	shalt  }

</sc_bundles>
